<compile_context>
chip_gen: v7x
topology: tpu7x:2x2x1
jax: 0.10.2.dev20260603
libtpu: 0.0.44.dev20260713+nightly
codegen_flags: <defaults>
</compile_context>

<pallas_src>
import jax
import jax.numpy as jnp
from jax import lax
from jax.experimental import pallas as pl
from jax.experimental.pallas import tpu as pltpu
from jax.experimental.pallas import tpu_sc as plsc

N = 10000
E = 320000
D = 128
H = 256
C = 40
CP = 128
NS = 16
NC = 2
CHUNK = 128
RPT_A = 624
RPT_LAST = N - (NS - 1) * RPT_A


def _per_tile_rows(s, fn):
    @pl.when(s < NS - 1)
    def _():
        fn(s * RPT_A, RPT_A)

    @pl.when(s == NS - 1)
    def _():
        fn((NS - 1) * RPT_A, RPT_LAST)

_MESH = plsc.VectorSubcoreMesh(core_axis_name="c", subcore_axis_name="s")



EH = E // NC
PADC = 1280
PADE = PADC * CHUNK - EH
ACC_N = N + 16


def _acc_init(s, zeros_hbm, acc):
    _per_tile_rows(s, lambda off, nr: pltpu.sync_copy(
        zeros_hbm.at[pl.ds(off, nr)], acc.at[pl.ds(off, nr)]))


def _acc_writeback(c, s, acc, out_hbm):
    _per_tile_rows(s, lambda off, nr: pltpu.sync_copy(
        acc.at[pl.ds(off, nr)], out_hbm.at[c, pl.ds(off, nr)]))


def _sc_deg_body(dstp_hbm, ones_hbm, zeros_hbm, out_hbm, ones_v, idxd, acc):
    c = lax.axis_index("c")
    s = lax.axis_index("s")
    _acc_init(s, zeros_hbm, acc)
    pltpu.sync_copy(ones_hbm, ones_v)
    plsc.subcore_barrier()

    nbpt = PADC // 16 // NS

    def block(t, carry):
        chunk0 = c * PADC + (s * nbpt + t) * 16
        pltpu.sync_copy(dstp_hbm.at[pl.ds(chunk0, 16)], idxd)
        for jj in range(16):
            pltpu.sync_copy(ones_v, acc.at[idxd.at[jj]], add=True)
        return carry

    lax.fori_loop(0, nbpt, block, 0)
    plsc.subcore_barrier()
    _acc_writeback(c, s, acc, out_hbm)


def _sc_prop1_body(src_hbm, dst_hbm, table_hbm, zeros_hbm, out_hbm,
                   idx_s, idx_g, idx_d, rows, acc, sem, sem2, sem3):
    c = lax.axis_index("c")
    s = lax.axis_index("s")
    _acc_init(s, zeros_hbm, acc)
    plsc.subcore_barrier()

    base16 = lax.broadcast_in_dim(c * N, (16,), ())
    n_chunks = E // CHUNK

    def body(j, carry):
        k = j * NS + s

        @pl.when(k < n_chunks)
        def _():
            off = k * CHUNK
            h_s = pltpu.async_copy(src_hbm.at[pl.ds(off, CHUNK)], idx_s, sem2)
            h_d = pltpu.async_copy(dst_hbm.at[pl.ds(off, CHUNK)], idx_d, sem3)
            h_s.wait()
            for i in range(CHUNK // 16):
                idx_g[pl.ds(i * 16, 16)] = idx_s[pl.ds(i * 16, 16)] + base16
            h_d.wait()
            pltpu.async_copy(table_hbm.at[idx_g], rows, sem).wait()
            pltpu.sync_copy(rows, acc.at[idx_d], add=True)

        return carry

    lax.fori_loop(0, (n_chunks + NS - 1) // NS, body, 0)
    plsc.subcore_barrier()
    _acc_writeback(c, s, acc, out_hbm)


def _sc_prop2_body(src_hbm, dst_hbm, table_hbm, zeros_hbm, out_hbm,
                   idx_s, idx_d, rows, acc, sem, sem2, sem3):
    c = lax.axis_index("c")
    s = lax.axis_index("s")
    _acc_init(s, zeros_hbm, acc)
    plsc.subcore_barrier()

    n_chunks = (E // NC) // CHUNK
    ebase = c * (E // NC)

    def body(j, carry):
        k = j * NS + s

        @pl.when(k < n_chunks)
        def _():
            off = ebase + k * CHUNK
            h_s = pltpu.async_copy(src_hbm.at[pl.ds(off, CHUNK)], idx_s, sem2)
            h_d = pltpu.async_copy(dst_hbm.at[pl.ds(off, CHUNK)], idx_d, sem3)
            h_s.wait()
            h_d.wait()
            pltpu.async_copy(table_hbm.at[idx_s], rows, sem).wait()
            pltpu.sync_copy(rows, acc.at[idx_d], add=True)

        return carry

    lax.fori_loop(0, (n_chunks + NS - 1) // NS, body, 0)
    plsc.subcore_barrier()
    _acc_writeback(c, s, acc, out_hbm)


_sc_deg = pl.kernel(
    _sc_deg_body,
    out_type=jax.ShapeDtypeStruct((NC, N, CP), jnp.float32),
    mesh=_MESH,
    scratch_types=[
        pltpu.VMEM((CHUNK, CP), jnp.float32),
        pltpu.VMEM((16, CHUNK), jnp.int32),
        pltpu.VMEM_SHARED((ACC_N, CP), jnp.float32),
    ],
)

_sc_prop1 = pl.kernel(
    _sc_prop1_body,
    out_type=jax.ShapeDtypeStruct((NC, N, D), jnp.float32),
    mesh=_MESH,
    scratch_types=[
        pltpu.VMEM((CHUNK,), jnp.int32),
        pltpu.VMEM((CHUNK,), jnp.int32),
        pltpu.VMEM((CHUNK,), jnp.int32),
        pltpu.VMEM((CHUNK, D), jnp.float32),
        pltpu.VMEM_SHARED((N, D), jnp.float32),
        pltpu.SemaphoreType.DMA,
        pltpu.SemaphoreType.DMA,
        pltpu.SemaphoreType.DMA,
    ],
)

_sc_prop2 = pl.kernel(
    _sc_prop2_body,
    out_type=jax.ShapeDtypeStruct((NC, N, CP), jnp.float32),
    mesh=_MESH,
    scratch_types=[
        pltpu.VMEM((CHUNK,), jnp.int32),
        pltpu.VMEM((CHUNK,), jnp.int32),
        pltpu.VMEM((CHUNK, CP), jnp.float32),
        pltpu.VMEM_SHARED((N, CP), jnp.float32),
        pltpu.SemaphoreType.DMA,
        pltpu.SemaphoreType.DMA,
        pltpu.SemaphoreType.DMA,
    ],
)



_BR = 1000


def _tc_dense1_body(x_ref, w1_ref, degp_ref, zt1_ref, dinv_ref):
    indeg = jnp.sum(degp_ref[...], axis=(0, 2)) * (1.0 / CP)
    dinv = lax.rsqrt(1.0 + indeg)
    z = jnp.dot(x_ref[...], w1_ref[...], preferred_element_type=jnp.float32)
    zt = z * dinv[:, None]
    zt1_ref[0] = zt[:, :D]
    zt1_ref[1] = zt[:, D:]
    dinv_ref[...] = dinv[:, None]


def _tc_dense2_body(s1_ref, zt1_ref, dinv_ref, b1_ref, w2_ref, zt2_ref):
    dinv = dinv_ref[...]
    h0 = jnp.maximum(dinv * (s1_ref[0] + zt1_ref[0]) + b1_ref[0], 0.0)
    h1 = jnp.maximum(dinv * (s1_ref[1] + zt1_ref[1]) + b1_ref[1], 0.0)
    z2 = (jnp.dot(h0, w2_ref[0], preferred_element_type=jnp.float32)
          + jnp.dot(h1, w2_ref[1], preferred_element_type=jnp.float32))
    zt2_ref[...] = z2 * dinv


def _tc_loss_body(s2_ref, zt2_ref, dinv_ref, b2_ref, y_ref, out_ref):
    i = pl.program_id(0)
    o = dinv_ref[...] * (s2_ref[0] + s2_ref[1] + zt2_ref[...]) + b2_ref[...]
    cols = lax.broadcasted_iota(jnp.int32, (_BR, CP), 1)
    om = jnp.where(cols < C, o, -1e30)
    m = jnp.max(om, axis=1, keepdims=True)
    lse = m[:, 0] + jnp.log(jnp.sum(jnp.exp(om - m), axis=1))
    picked = jnp.sum(jnp.where(cols == y_ref[...], o, 0.0), axis=1)
    part = jnp.sum(lse - picked) * (1.0 / N)

    @pl.when(i == 0)
    def _():
        out_ref[...] = jnp.zeros((1, 1), jnp.float32)

    out_ref[...] += part[None, None]


_tc_dense1 = pl.pallas_call(
    _tc_dense1_body,
    grid=(N // _BR,),
    in_specs=[
        pl.BlockSpec((_BR, D), lambda i: (i, 0)),
        pl.BlockSpec((D, H), lambda i: (0, 0)),
        pl.BlockSpec((NC, _BR, CP), lambda i: (0, i, 0)),
    ],
    out_specs=[
        pl.BlockSpec((NC, _BR, D), lambda i: (0, i, 0)),
        pl.BlockSpec((_BR, 1), lambda i: (i, 0)),
    ],
    out_shape=[
        jax.ShapeDtypeStruct((NC, N, D), jnp.float32),
        jax.ShapeDtypeStruct((N, 1), jnp.float32),
    ],
    compiler_params=pltpu.CompilerParams(
        dimension_semantics=("arbitrary",)),
)

_tc_dense2 = pl.pallas_call(
    _tc_dense2_body,
    grid=(N // _BR,),
    in_specs=[
        pl.BlockSpec((NC, _BR, D), lambda i: (0, i, 0)),
        pl.BlockSpec((NC, _BR, D), lambda i: (0, i, 0)),
        pl.BlockSpec((_BR, 1), lambda i: (i, 0)),
        pl.BlockSpec((NC, D), lambda i: (0, 0)),
        pl.BlockSpec((NC, D, CP), lambda i: (0, 0, 0)),
    ],
    out_specs=pl.BlockSpec((_BR, CP), lambda i: (i, 0)),
    out_shape=jax.ShapeDtypeStruct((N, CP), jnp.float32),
    compiler_params=pltpu.CompilerParams(
        dimension_semantics=("arbitrary",)),
)

_tc_loss = pl.pallas_call(
    _tc_loss_body,
    grid=(N // _BR,),
    in_specs=[
        pl.BlockSpec((NC, _BR, CP), lambda i: (0, i, 0)),
        pl.BlockSpec((_BR, CP), lambda i: (i, 0)),
        pl.BlockSpec((_BR, 1), lambda i: (i, 0)),
        pl.BlockSpec((1, CP), lambda i: (0, 0)),
        pl.BlockSpec((_BR, 1), lambda i: (i, 0)),
    ],
    out_specs=pl.BlockSpec((1, 1), lambda i: (0, 0)),
    out_shape=jax.ShapeDtypeStruct((1, 1), jnp.float32),
    compiler_params=pltpu.CompilerParams(
        dimension_semantics=("arbitrary",)),
)



def kernel(x, edge_index, y, W1, b1, W2, b2):
    src = edge_index[0]
    dst = edge_index[1]

    padn = N + (jnp.arange(PADE, dtype=jnp.int32) % 16)
    dstp2d = jnp.concatenate(
        [dst[:EH], padn, dst[EH:], padn]).reshape(NC * PADC, CHUNK)

    ones_rows = jnp.ones((CHUNK, CP), jnp.float32)
    zerosD = jnp.zeros((N, D), jnp.float32)

    degp = _sc_deg(dstp2d, ones_rows, zerosD)
    zt1, dinv = _tc_dense1(x, W1, degp)
    s1 = _sc_prop1(src, dst, zt1.reshape(NC * N, D), zerosD)

    w2p = jnp.concatenate(
        [W2, jnp.zeros((H, CP - C), jnp.float32)], axis=1).reshape(NC, D, CP)
    b1r = b1.reshape(NC, D)
    zt2 = _tc_dense2(s1, zt1, dinv, b1r, w2p)

    s2 = _sc_prop2(src, dst, zt2, zerosD)

    b2p = jnp.concatenate(
        [b2, jnp.zeros((CP - C,), jnp.float32)]).reshape(1, CP)
    out = _tc_loss(s2, zt2, dinv, b2p, y)
    return out[0, 0]

# --- scband reference (transcript-rebuilt; emitter-appended) ---
"""Pipeline reference for scband-base-7756710936839 (READ-ONLY COPY).

The authoritative reference and input builder live on the scoring server;
editing this copy changes nothing except your own understanding.
"""

import jax, jax.numpy as jnp
import numpy as np

N = 10000
E = 320000
D = 128
H = 256
C = 40

def setup_inputs(seed: int = 0) -> dict:
    key = jax.random.key(seed)
    ks = jax.random.split(key, 8)
    x = jax.random.normal(ks[0], (N, D), dtype=jnp.float32)
    edge_index = jax.random.randint(ks[1], (2, E), 0, N, dtype=jnp.int32)
    y = jax.random.randint(ks[2], (N, 1), 0, C, dtype=jnp.int32)
    W1 = jax.random.normal(ks[3], (D, H), dtype=jnp.float32) * (1.0 / np.sqrt(D))
    b1 = jnp.zeros((H,), dtype=jnp.float32)
    W2 = jax.random.normal(ks[4], (H, C), dtype=jnp.float32) * (1.0 / np.sqrt(H))
    b2 = jnp.zeros((C,), dtype=jnp.float32)
    return {"x": x, "edge_index": edge_index, "y": y, "W1": W1, "b1": b1, "W2": W2, "b2": b2}

def _gcn_prop(h, src2, dst2, norm, n):
    # scatter-add of normalized messages (GCNConv symmetric normalization with self-loops)
    msg = norm[:, None] * jnp.take(h, src2, axis=0)
    return jnp.zeros((n, h.shape[1]), h.dtype).at[dst2].add(msg)

def reference(x, edge_index, y, W1, b1, W2, b2):
    n = x.shape[0]
    src = edge_index[0]
    dst = edge_index[1]
    loops = jnp.arange(n, dtype=src.dtype)
    src2 = jnp.concatenate([src, loops])
    dst2 = jnp.concatenate([dst, loops])
    deg = jnp.zeros((n,), x.dtype).at[dst2].add(1.0)
    dinv = 1.0 / jnp.sqrt(jnp.clip(deg, 1.0))
    norm = dinv[src2] * dinv[dst2]
    # layer 1: GCNConv(d -> hidden) + ReLU (dropout=0.0, no_bn=True)
    h = x @ W1
    h = _gcn_prop(h, src2, dst2, norm, n) + b1
    h = jax.nn.relu(h)
    # layer 2: GCNConv(hidden -> c)
    o = h @ W2
    o = _gcn_prop(o, src2, dst2, norm, n) + b2
    # sup_loss: log_softmax + NLL (criterion = NLLLoss, mean reduction)
    logp = jax.nn.log_softmax(o, axis=1)
    tgt = y[:, 0]
    loss = -jnp.mean(jnp.take_along_axis(logp, tgt[:, None], axis=1))
    return loss

if __name__ == "__main__":
    import jax
    _d = setup_inputs()
    print(jax.jit(kernel)(*tuple(_d.values())))

</pallas_src>

<mosaic_0001>
#map = affine_map<(d0, d1) -> (0, 0)>
#map1 = affine_map<(d0, d1) -> (0, 0, 0)>
module attributes {stable_mosaic.version = 14 : i64} {
  func.func @_sc_deg_body(%arg0: i32, %arg1: i32, %arg2: memref<2560x128xi32, #tpu.memory_space<hbm>>, %arg3: memref<128x128xf32, #tpu.memory_space<hbm>>, %arg4: memref<10000x128xf32, #tpu.memory_space<hbm>>, %arg5: memref<2x10000x128xf32, #tpu.memory_space<hbm>>, %arg6: memref<128x128xf32, #tpu.memory_space<vmem>>, %arg7: memref<16x128xi32, #tpu.memory_space<vmem>>, %arg8: memref<10016x128xf32, #tpu.memory_space<vmem_shared>>) attributes {dimension_semantics = [#tpu.dimension_semantics<core_parallel>, #tpu.dimension_semantics<subcore_parallel>], iteration_bounds = array<i64: 2, 16>, scalar_prefetch = 0 : i64, scratch_operands = 3 : i64, tpu.core_type = #tpu.core_type<sc_vector_subcore>, window_params = [{transform_indices = #map}, {transform_indices = #map}, {transform_indices = #map}, {transform_indices = #map1}]} {
    %lt3A = arith.constant 15 : i32
    %lt3A_0 = arith.cmpi slt, %arg1, %lt3A : i32
    %convert_element_type3A = arith.extui %lt3A_0 : i1 to i32
    %cond3A = arith.constant 0 : i32
    %cond3A_1 = arith.cmpi ne, %convert_element_type3A, %cond3A : i32
    scf.if %cond3A_1 {
      %mul3A = arith.constant 624 : i32
      %mul3A_22 = arith.muli %arg1, %mul3A : i32
      "tpu.region"() ({
        %run_scoped3A = tpu.sem_alloc : memref<!tpu.dma_semaphore, #tpu.memory_space<semaphore_mem>>
        %dma_start3A = arith.constant 0 : i32
        %dma_start3A_23 = tpu.memref_slice %arg8[%mul3A_22, %dma_start3A] : memref<10016x128xf32, #tpu.memory_space<vmem_shared>> -> memref<624x128xf32, #tpu.memory_space<vmem_shared>>
        %dma_start3A_24 = arith.constant 0 : i32
        %dma_start3A_25 = tpu.memref_slice %arg4[%mul3A_22, %dma_start3A_24] : memref<10000x128xf32, #tpu.memory_space<hbm>> -> memref<624x128xf32, #tpu.memory_space<hbm>>
        tpu.enqueue_dma source(%dma_start3A_25 : memref<624x128xf32, #tpu.memory_space<hbm>>) target(%dma_start3A_23 : memref<624x128xf32, #tpu.memory_space<vmem_shared>>) target_semaphore(%run_scoped3A : memref<!tpu.dma_semaphore, #tpu.memory_space<semaphore_mem>>)
        %dma_wait3A = arith.constant 0 : i32
        %dma_wait3A_26 = tpu.memref_slice %arg8[%mul3A_22, %dma_wait3A] : memref<10016x128xf32, #tpu.memory_space<vmem_shared>> -> memref<624x128xf32, #tpu.memory_space<vmem_shared>>
        %dma_wait3A_27 = arith.constant 0 : i32
        %dma_wait3A_28 = tpu.memref_slice %arg4[%mul3A_22, %dma_wait3A_27] : memref<10000x128xf32, #tpu.memory_space<hbm>> -> memref<624x128xf32, #tpu.memory_space<hbm>>
        tpu.wait_dma2 semaphore(%run_scoped3A : memref<!tpu.dma_semaphore, #tpu.memory_space<semaphore_mem>>) src(%dma_wait3A_28 : memref<624x128xf32, #tpu.memory_space<hbm>>) dst(%dma_wait3A_26 : memref<624x128xf32, #tpu.memory_space<vmem_shared>>)
        tpu.yield
      }) : () -> ()
    } else {
    }
    %eq3A = arith.constant 15 : i32
    %eq3A_2 = arith.cmpi eq, %arg1, %eq3A : i32
    %convert_element_type3A_3 = arith.extui %eq3A_2 : i1 to i32
    %cond3A_4 = arith.constant 0 : i32
    %cond3A_5 = arith.cmpi ne, %convert_element_type3A_3, %cond3A_4 : i32
    scf.if %cond3A_5 {
      "tpu.region"() ({
        %run_scoped3A = tpu.sem_alloc : memref<!tpu.dma_semaphore, #tpu.memory_space<semaphore_mem>>
        %dma_start3A = arith.constant 9360 : i32
        %dma_start3A_22 = arith.constant 0 : i32
        %dma_start3A_23 = tpu.memref_slice %arg8[%dma_start3A, %dma_start3A_22] : memref<10016x128xf32, #tpu.memory_space<vmem_shared>> -> memref<640x128xf32, #tpu.memory_space<vmem_shared>>
        %dma_start3A_24 = arith.constant 9360 : i32
        %dma_start3A_25 = arith.constant 0 : i32
        %dma_start3A_26 = tpu.memref_slice %arg4[%dma_start3A_24, %dma_start3A_25] : memref<10000x128xf32, #tpu.memory_space<hbm>> -> memref<640x128xf32, #tpu.memory_space<hbm>>
        tpu.enqueue_dma source(%dma_start3A_26 : memref<640x128xf32, #tpu.memory_space<hbm>>) target(%dma_start3A_23 : memref<640x128xf32, #tpu.memory_space<vmem_shared>>) target_semaphore(%run_scoped3A : memref<!tpu.dma_semaphore, #tpu.memory_space<semaphore_mem>>)
        %dma_wait3A = arith.constant 9360 : i32
        %dma_wait3A_27 = arith.constant 0 : i32
        %dma_wait3A_28 = tpu.memref_slice %arg8[%dma_wait3A, %dma_wait3A_27] : memref<10016x128xf32, #tpu.memory_space<vmem_shared>> -> memref<640x128xf32, #tpu.memory_space<vmem_shared>>
        %dma_wait3A_29 = arith.constant 9360 : i32
        %dma_wait3A_30 = arith.constant 0 : i32
        %dma_wait3A_31 = tpu.memref_slice %arg4[%dma_wait3A_29, %dma_wait3A_30] : memref<10000x128xf32, #tpu.memory_space<hbm>> -> memref<640x128xf32, #tpu.memory_space<hbm>>
        tpu.wait_dma2 semaphore(%run_scoped3A : memref<!tpu.dma_semaphore, #tpu.memory_space<semaphore_mem>>) src(%dma_wait3A_31 : memref<640x128xf32, #tpu.memory_space<hbm>>) dst(%dma_wait3A_28 : memref<640x128xf32, #tpu.memory_space<vmem_shared>>)
        tpu.yield
      }) : () -> ()
    } else {
    }
    "tpu.region"() ({
      %run_scoped3A = tpu.sem_alloc : memref<!tpu.dma_semaphore, #tpu.memory_space<semaphore_mem>>
      tpu.enqueue_dma source(%arg3 : memref<128x128xf32, #tpu.memory_space<hbm>>) target(%arg6 : memref<128x128xf32, #tpu.memory_space<vmem>>) target_semaphore(%run_scoped3A : memref<!tpu.dma_semaphore, #tpu.memory_space<semaphore_mem>>)
      tpu.wait_dma2 semaphore(%run_scoped3A : memref<!tpu.dma_semaphore, #tpu.memory_space<semaphore_mem>>) src(%arg3 : memref<128x128xf32, #tpu.memory_space<hbm>>) dst(%arg6 : memref<128x128xf32, #tpu.memory_space<vmem>>)
      tpu.yield
    }) : () -> ()
    %barrier3A = arith.constant 0 : index
    tpu.barrier barrier_id(%barrier3A)
    %scan3A = arith.constant 0 : i32
    %scan3A_6 = arith.constant 0 : i32
    %scan3A_7 = arith.constant 5 : i32
    %scan3A_8 = arith.addi %scan3A_6, %scan3A_7 : i32
    %scan3A_9 = arith.constant 1 : i32
    scf.for %scan3A_22 = %scan3A_6 to %scan3A_8 step %scan3A_9  : i32 {
      %mul3A = arith.constant 1280 : i32
      %mul3A_23 = arith.muli %arg0, %mul3A : i32
      %mul3A_24 = arith.constant 5 : i32
      %mul3A_25 = arith.muli %arg1, %mul3A_24 : i32
      %add3A = arith.addi %mul3A_25, %scan3A_22 : i32
      %mul3A_26 = arith.constant 16 : i32
      %mul3A_27 = arith.muli %add3A, %mul3A_26 : i32
      %add3A_28 = arith.addi %mul3A_23, %mul3A_27 : i32
      "tpu.region"() ({
        %run_scoped3A_44 = tpu.sem_alloc : memref<!tpu.dma_semaphore, #tpu.memory_space<semaphore_mem>>
        %dma_start3A = arith.constant 0 : i32
        %dma_start3A_45 = tpu.memref_slice %arg2[%add3A_28, %dma_start3A] : memref<2560x128xi32, #tpu.memory_space<hbm>> -> memref<16x128xi32, #tpu.memory_space<hbm>>
        %dma_start3A_46 = arith.constant 0 : i32
        %dma_start3A_47 = tpu.memref_slice %arg2[%add3A_28, %dma_start3A_46] : memref<2560x128xi32, #tpu.memory_space<hbm>> -> memref<16x128xi32, #tpu.memory_space<hbm>>
        tpu.enqueue_dma source(%dma_start3A_47 : memref<16x128xi32, #tpu.memory_space<hbm>>) target(%arg7 : memref<16x128xi32, #tpu.memory_space<vmem>>) target_semaphore(%run_scoped3A_44 : memref<!tpu.dma_semaphore, #tpu.memory_space<semaphore_mem>>)
        %dma_wait3A = arith.constant 0 : i32
        %dma_wait3A_48 = tpu.memref_slice %arg2[%add3A_28, %dma_wait3A] : memref<2560x128xi32, #tpu.memory_space<hbm>> -> memref<16x128xi32, #tpu.memory_space<hbm>>
        %dma_wait3A_49 = arith.constant 0 : i32
        %dma_wait3A_50 = tpu.memref_slice %arg2[%add3A_28, %dma_wait3A_49] : memref<2560x128xi32, #tpu.memory_space<hbm>> -> memref<16x128xi32, #tpu.memory_space<hbm>>
        tpu.wait_dma2 semaphore(%run_scoped3A_44 : memref<!tpu.dma_semaphore, #tpu.memory_space<semaphore_mem>>) src(%dma_wait3A_50 : memref<16x128xi32, #tpu.memory_space<hbm>>) dst(%arg7 : memref<16x128xi32, #tpu.memory_space<vmem>>)
        tpu.yield
      }) : () -> ()
      %run_scoped3A = arith.constant 0 : i32
      "tpu.region"() ({
        %run_scoped3A_44 = tpu.sem_alloc : memref<!tpu.dma_semaphore, #tpu.memory_space<semaphore_mem>>
        %dma_start3A = arith.constant 0 : i32
        %dma_start3A_45 = tpu.memref_slice %arg7[%run_scoped3A, %dma_start3A] : memref<16x128xi32, #tpu.memory_space<vmem>> -> memref<1x128xi32, #tpu.memory_space<vmem>>
        %dma_start3A_46 = tpu.memref_squeeze %dma_start3A_45 : memref<1x128xi32, #tpu.memory_space<vmem>> -> memref<128xi32, #tpu.memory_space<vmem>>
        %dma_start3A_47 = arith.constant 0 : i32
        %dma_start3A_48 = arith.constant 0 : i32
        %dma_start3A_49 = tpu.memref_slice %arg8[%dma_start3A_47, %dma_start3A_48] : memref<10016x128xf32, #tpu.memory_space<vmem_shared>> -> memref<10016x128xf32, #tpu.memory_space<vmem_shared>>
        tpu.enqueue_indirect_dma source(%arg6 : memref<128x128xf32, #tpu.memory_space<vmem>>) target(%dma_start3A_49 : memref<10016x128xf32, #tpu.memory_space<vmem_shared>>) offsets(%dma_start3A_46 : memref<128xi32, #tpu.memory_space<vmem>>) semaphore(%run_scoped3A_44 : memref<!tpu.dma_semaphore, #tpu.memory_space<semaphore_mem>>) {add = true}
        %dma_wait3A = arith.constant 0 : i32
        %dma_wait3A_50 = tpu.memref_slice %arg7[%run_scoped3A, %dma_wait3A] : memref<16x128xi32, #tpu.memory_space<vmem>> -> memref<1x128xi32, #tpu.memory_space<vmem>>
        %dma_wait3A_51 = tpu.memref_squeeze %dma_wait3A_50 : memref<1x128xi32, #tpu.memory_space<vmem>> -> memref<128xi32, #tpu.memory_space<vmem>>
        %dma_wait3A_52 = arith.constant 0 : i32
        %dma_wait3A_53 = arith.constant 0 : i32
        %dma_wait3A_54 = tpu.memref_slice %arg8[%dma_wait3A_52, %dma_wait3A_53] : memref<10016x128xf32, #tpu.memory_space<vmem_shared>> -> memref<10016x128xf32, #tpu.memory_space<vmem_shared>>
        tpu.wait_indirect_dma semaphore(%run_scoped3A_44 : memref<!tpu.dma_semaphore, #tpu.memory_space<semaphore_mem>>) src(%arg6 : memref<128x128xf32, #tpu.memory_space<vmem>>) dst(%dma_wait3A_54 : memref<10016x128xf32, #tpu.memory_space<vmem_shared>>)
        tpu.yield
      }) : () -> ()
      %run_scoped3A_29 = arith.constant 1 : i32
      "tpu.region"() ({
        %run_scoped3A_44 = tpu.sem_alloc : memref<!tpu.dma_semaphore, #tpu.memory_space<semaphore_mem>>
        %dma_start3A = arith.constant 0 : i32
        %dma_start3A_45 = tpu.memref_slice %arg7[%run_scoped3A_29, %dma_start3A] : memref<16x128xi32, #tpu.memory_space<vmem>> -> memref<1x128xi32, #tpu.memory_space<vmem>>
        %dma_start3A_46 = tpu.memref_squeeze %dma_start3A_45 : memref<1x128xi32, #tpu.memory_space<vmem>> -> memref<128xi32, #tpu.memory_space<vmem>>
        %dma_start3A_47 = arith.constant 0 : i32
        %dma_start3A_48 = arith.constant 0 : i32
        %dma_start3A_49 = tpu.memref_slice %arg8[%dma_start3A_47, %dma_start3A_48] : memref<10016x128xf32, #tpu.memory_space<vmem_shared>> -> memref<10016x128xf32, #tpu.memory_space<vmem_shared>>
        tpu.enqueue_indirect_dma source(%arg6 : memref<128x128xf32, #tpu.memory_space<vmem>>) target(%dma_start3A_49 : memref<10016x128xf32, #tpu.memory_space<vmem_shared>>) offsets(%dma_start3A_46 : memref<128xi32, #tpu.memory_space<vmem>>) semaphore(%run_scoped3A_44 : memref<!tpu.dma_semaphore, #tpu.memory_space<semaphore_mem>>) {add = true}
        %dma_wait3A = arith.constant 0 : i32
        %dma_wait3A_50 = tpu.memref_slice %arg7[%run_scoped3A_29, %dma_wait3A] : memref<16x128xi32, #tpu.memory_space<vmem>> -> memref<1x128xi32, #tpu.memory_space<vmem>>
        %dma_wait3A_51 = tpu.memref_squeeze %dma_wait3A_50 : memref<1x128xi32, #tpu.memory_space<vmem>> -> memref<128xi32, #tpu.memory_space<vmem>>
        %dma_wait3A_52 = arith.constant 0 : i32
        %dma_wait3A_53 = arith.constant 0 : i32
        %dma_wait3A_54 = tpu.memref_slice %arg8[%dma_wait3A_52, %dma_wait3A_53] : memref<10016x128xf32, #tpu.memory_space<vmem_shared>> -> memref<10016x128xf32, #tpu.memory_space<vmem_shared>>
        tpu.wait_indirect_dma semaphore(%run_scoped3A_44 : memref<!tpu.dma_semaphore, #tpu.memory_space<semaphore_mem>>) src(%arg6 : memref<128x128xf32, #tpu.memory_space<vmem>>) dst(%dma_wait3A_54 : memref<10016x128xf32, #tpu.memory_space<vmem_shared>>)
        tpu.yield
      }) : () -> ()
      %run_scoped3A_30 = arith.constant 2 : i32
      "tpu.region"() ({
        %run_scoped3A_44 = tpu.sem_alloc : memref<!tpu.dma_semaphore, #tpu.memory_space<semaphore_mem>>
        %dma_start3A = arith.constant 0 : i32
        %dma_start3A_45 = tpu.memref_slice %arg7[%run_scoped3A_30, %dma_start3A] : memref<16x128xi32, #tpu.memory_space<vmem>> -> memref<1x128xi32, #tpu.memory_space<vmem>>
        %dma_start3A_46 = tpu.memref_squeeze %dma_start3A_45 : memref<1x128xi32, #tpu.memory_space<vmem>> -> memref<128xi32, #tpu.memory_space<vmem>>
        %dma_start3A_47 = arith.constant 0 : i32
        %dma_start3A_48 = arith.constant 0 : i32
        %dma_start3A_49 = tpu.memref_slice %arg8[%dma_start3A_47, %dma_start3A_48] : memref<10016x128xf32, #tpu.memory_space<vmem_shared>> -> memref<10016x128xf32, #tpu.memory_space<vmem_shared>>
        tpu.enqueue_indirect_dma source(%arg6 : memref<128x128xf32, #tpu.memory_space<vmem>>) target(%dma_start3A_49 : memref<10016x128xf32, #tpu.memory_space<vmem_shared>>) offsets(%dma_start3A_46 : memref<128xi32, #tpu.memory_space<vmem>>) semaphore(%run_scoped3A_44 : memref<!tpu.dma_semaphore, #tpu.memory_space<semaphore_mem>>) {add = true}
        %dma_wait3A = arith.constant 0 : i32
        %dma_wait3A_50 = tpu.memref_slice %arg7[%run_scoped3A_30, %dma_wait3A] : memref<16x128xi32, #tpu.memory_space<vmem>> -> memref<1x128xi32, #tpu.memory_space<vmem>>
        %dma_wait3A_51 = tpu.memref_squeeze %dma_wait3A_50 : memref<1x128xi32, #tpu.memory_space<vmem>> -> memref<128xi32, #tpu.memory_space<vmem>>
        %dma_wait3A_52 = arith.constant 0 : i32
        %dma_wait3A_53 = arith.constant 0 : i32
        %dma_wait3A_54 = tpu.memref_slice %arg8[%dma_wait3A_52, %dma_wait3A_53] : memref<10016x128xf32, #tpu.memory_space<vmem_shared>> -> memref<10016x128xf32, #tpu.memory_space<vmem_shared>>
        tpu.wait_indirect_dma semaphore(%run_scoped3A_44 : memref<!tpu.dma_semaphore, #tpu.memory_space<semaphore_mem>>) src(%arg6 : memref<128x128xf32, #tpu.memory_space<vmem>>) dst(%dma_wait3A_54 : memref<10016x128xf32, #tpu.memory_space<vmem_shared>>)
        tpu.yield
      }) : () -> ()
      %run_scoped3A_31 = arith.constant 3 : i32
      "tpu.region"() ({
        %run_scoped3A_44 = tpu.sem_alloc : memref<!tpu.dma_semaphore, #tpu.memory_space<semaphore_mem>>
        %dma_start3A = arith.constant 0 : i32
        %dma_start3A_45 = tpu.memref_slice %arg7[%run_scoped3A_31, %dma_start3A] : memref<16x128xi32, #tpu.memory_space<vmem>> -> memref<1x128xi32, #tpu.memory_space<vmem>>
        %dma_start3A_46 = tpu.memref_squeeze %dma_start3A_45 : memref<1x128xi32, #tpu.memory_space<vmem>> -> memref<128xi32, #tpu.memory_space<vmem>>
        %dma_start3A_47 = arith.constant 0 : i32
        %dma_start3A_48 = arith.constant 0 : i32
        %dma_start3A_49 = tpu.memref_slice %arg8[%dma_start3A_47, %dma_start3A_48] : memref<10016x128xf32, #tpu.memory_space<vmem_shared>> -> memref<10016x128xf32, #tpu.memory_space<vmem_shared>>
        tpu.enqueue_indirect_dma source(%arg6 : memref<128x128xf32, #tpu.memory_space<vmem>>) target(%dma_start3A_49 : memref<10016x128xf32, #tpu.memory_space<vmem_shared>>) offsets(%dma_start3A_46 : memref<128xi32, #tpu.memory_space<vmem>>) semaphore(%run_scoped3A_44 : memref<!tpu.dma_semaphore, #tpu.memory_space<semaphore_mem>>) {add = true}
        %dma_wait3A = arith.constant 0 : i32
        %dma_wait3A_50 = tpu.memref_slice %arg7[%run_scoped3A_31, %dma_wait3A] : memref<16x128xi32, #tpu.memory_space<vmem>> -> memref<1x128xi32, #tpu.memory_space<vmem>>
        %dma_wait3A_51 = tpu.memref_squeeze %dma_wait3A_50 : memref<1x128xi32, #tpu.memory_space<vmem>> -> memref<128xi32, #tpu.memory_space<vmem>>
        %dma_wait3A_52 = arith.constant 0 : i32
        %dma_wait3A_53 = arith.constant 0 : i32
        %dma_wait3A_54 = tpu.memref_slice %arg8[%dma_wait3A_52, %dma_wait3A_53] : memref<10016x128xf32, #tpu.memory_space<vmem_shared>> -> memref<10016x128xf32, #tpu.memory_space<vmem_shared>>
        tpu.wait_indirect_dma semaphore(%run_scoped3A_44 : memref<!tpu.dma_semaphore, #tpu.memory_space<semaphore_mem>>) src(%arg6 : memref<128x128xf32, #tpu.memory_space<vmem>>) dst(%dma_wait3A_54 : memref<10016x128xf32, #tpu.memory_space<vmem_shared>>)
        tpu.yield
      }) : () -> ()
      %run_scoped3A_32 = arith.constant 4 : i32
      "tpu.region"() ({
        %run_scoped3A_44 = tpu.sem_alloc : memref<!tpu.dma_semaphore, #tpu.memory_space<semaphore_mem>>
        %dma_start3A = arith.constant 0 : i32
        %dma_start3A_45 = tpu.memref_slice %arg7[%run_scoped3A_32, %dma_start3A] : memref<16x128xi32, #tpu.memory_space<vmem>> -> memref<1x128xi32, #tpu.memory_space<vmem>>
        %dma_start3A_46 = tpu.memref_squeeze %dma_start3A_45 : memref<1x128xi32, #tpu.memory_space<vmem>> -> memref<128xi32, #tpu.memory_space<vmem>>
        %dma_start3A_47 = arith.constant 0 : i32
        %dma_start3A_48 = arith.constant 0 : i32
        %dma_start3A_49 = tpu.memref_slice %arg8[%dma_start3A_47, %dma_start3A_48] : memref<10016x128xf32, #tpu.memory_space<vmem_shared>> -> memref<10016x128xf32, #tpu.memory_space<vmem_shared>>
        tpu.enqueue_indirect_dma source(%arg6 : memref<128x128xf32, #tpu.memory_space<vmem>>) target(%dma_start3A_49 : memref<10016x128xf32, #tpu.memory_space<vmem_shared>>) offsets(%dma_start3A_46 : memref<128xi32, #tpu.memory_space<vmem>>) semaphore(%run_scoped3A_44 : memref<!tpu.dma_semaphore, #tpu.memory_space<semaphore_mem>>) {add = true}
        %dma_wait3A = arith.constant 0 : i32
        %dma_wait3A_50 = tpu.memref_slice %arg7[%run_scoped3A_32, %dma_wait3A] : memref<16x128xi32, #tpu.memory_space<vmem>> -> memref<1x128xi32, #tpu.memory_space<vmem>>
        %dma_wait3A_51 = tpu.memref_squeeze %dma_wait3A_50 : memref<1x128xi32, #tpu.memory_space<vmem>> -> memref<128xi32, #tpu.memory_space<vmem>>
        %dma_wait3A_52 = arith.constant 0 : i32
        %dma_wait3A_53 = arith.constant 0 : i32
        %dma_wait3A_54 = tpu.memref_slice %arg8[%dma_wait3A_52, %dma_wait3A_53] : memref<10016x128xf32, #tpu.memory_space<vmem_shared>> -> memref<10016x128xf32, #tpu.memory_space<vmem_shared>>
        tpu.wait_indirect_dma semaphore(%run_scoped3A_44 : memref<!tpu.dma_semaphore, #tpu.memory_space<semaphore_mem>>) src(%arg6 : memref<128x128xf32, #tpu.memory_space<vmem>>) dst(%dma_wait3A_54 : memref<10016x128xf32, #tpu.memory_space<vmem_shared>>)
        tpu.yield
      }) : () -> ()
      %run_scoped3A_33 = arith.constant 5 : i32
      "tpu.region"() ({
        %run_scoped3A_44 = tpu.sem_alloc : memref<!tpu.dma_semaphore, #tpu.memory_space<semaphore_mem>>
        %dma_start3A = arith.constant 0 : i32
        %dma_start3A_45 = tpu.memref_slice %arg7[%run_scoped3A_33, %dma_start3A] : memref<16x128xi32, #tpu.memory_space<vmem>> -> memref<1x128xi32, #tpu.memory_space<vmem>>
        %dma_start3A_46 = tpu.memref_squeeze %dma_start3A_45 : memref<1x128xi32, #tpu.memory_space<vmem>> -> memref<128xi32, #tpu.memory_space<vmem>>
        %dma_start3A_47 = arith.constant 0 : i32
        %dma_start3A_48 = arith.constant 0 : i32
        %dma_start3A_49 = tpu.memref_slice %arg8[%dma_start3A_47, %dma_start3A_48] : memref<10016x128xf32, #tpu.memory_space<vmem_shared>> -> memref<10016x128xf32, #tpu.memory_space<vmem_shared>>
        tpu.enqueue_indirect_dma source(%arg6 : memref<128x128xf32, #tpu.memory_space<vmem>>) target(%dma_start3A_49 : memref<10016x128xf32, #tpu.memory_space<vmem_shared>>) offsets(%dma_start3A_46 : memref<128xi32, #tpu.memory_space<vmem>>) semaphore(%run_scoped3A_44 : memref<!tpu.dma_semaphore, #tpu.memory_space<semaphore_mem>>) {add = true}
        %dma_wait3A = arith.constant 0 : i32
        %dma_wait3A_50 = tpu.memref_slice %arg7[%run_scoped3A_33, %dma_wait3A] : memref<16x128xi32, #tpu.memory_space<vmem>> -> memref<1x128xi32, #tpu.memory_space<vmem>>
        %dma_wait3A_51 = tpu.memref_squeeze %dma_wait3A_50 : memref<1x128xi32, #tpu.memory_space<vmem>> -> memref<128xi32, #tpu.memory_space<vmem>>
        %dma_wait3A_52 = arith.constant 0 : i32
        %dma_wait3A_53 = arith.constant 0 : i32
        %dma_wait3A_54 = tpu.memref_slice %arg8[%dma_wait3A_52, %dma_wait3A_53] : memref<10016x128xf32, #tpu.memory_space<vmem_shared>> -> memref<10016x128xf32, #tpu.memory_space<vmem_shared>>
        tpu.wait_indirect_dma semaphore(%run_scoped3A_44 : memref<!tpu.dma_semaphore, #tpu.memory_space<semaphore_mem>>) src(%arg6 : memref<128x128xf32, #tpu.memory_space<vmem>>) dst(%dma_wait3A_54 : memref<10016x128xf32, #tpu.memory_space<vmem_shared>>)
        tpu.yield
      }) : () -> ()
      %run_scoped3A_34 = arith.constant 6 : i32
      "tpu.region"() ({
        %run_scoped3A_44 = tpu.sem_alloc : memref<!tpu.dma_semaphore, #tpu.memory_space<semaphore_mem>>
        %dma_start3A = arith.constant 0 : i32
        %dma_start3A_45 = tpu.memref_slice %arg7[%run_scoped3A_34, %dma_start3A] : memref<16x128xi32, #tpu.memory_space<vmem>> -> memref<1x128xi32, #tpu.memory_space<vmem>>
        %dma_start3A_46 = tpu.memref_squeeze %dma_start3A_45 : memref<1x128xi32, #tpu.memory_space<vmem>> -> memref<128xi32, #tpu.memory_space<vmem>>
        %dma_start3A_47 = arith.constant 0 : i32
        %dma_start3A_48 = arith.constant 0 : i32
        %dma_start3A_49 = tpu.memref_slice %arg8[%dma_start3A_47, %dma_start3A_48] : memref<10016x128xf32, #tpu.memory_space<vmem_shared>> -> memref<10016x128xf32, #tpu.memory_space<vmem_shared>>
        tpu.enqueue_indirect_dma source(%arg6 : memref<128x128xf32, #tpu.memory_space<vmem>>) target(%dma_start3A_49 : memref<10016x128xf32, #tpu.memory_space<vmem_shared>>) offsets(%dma_start3A_46 : memref<128xi32, #tpu.memory_space<vmem>>) semaphore(%run_scoped3A_44 : memref<!tpu.dma_semaphore, #tpu.memory_space<semaphore_mem>>) {add = true}
        %dma_wait3A = arith.constant 0 : i32
        %dma_wait3A_50 = tpu.memref_slice %arg7[%run_scoped3A_34, %dma_wait3A] : memref<16x128xi32, #tpu.memory_space<vmem>> -> memref<1x128xi32, #tpu.memory_space<vmem>>
        %dma_wait3A_51 = tpu.memref_squeeze %dma_wait3A_50 : memref<1x128xi32, #tpu.memory_space<vmem>> -> memref<128xi32, #tpu.memory_space<vmem>>
        %dma_wait3A_52 = arith.constant 0 : i32
        %dma_wait3A_53 = arith.constant 0 : i32
        %dma_wait3A_54 = tpu.memref_slice %arg8[%dma_wait3A_52, %dma_wait3A_53] : memref<10016x128xf32, #tpu.memory_space<vmem_shared>> -> memref<10016x128xf32, #tpu.memory_space<vmem_shared>>
        tpu.wait_indirect_dma semaphore(%run_scoped3A_44 : memref<!tpu.dma_semaphore, #tpu.memory_space<semaphore_mem>>) src(%arg6 : memref<128x128xf32, #tpu.memory_space<vmem>>) dst(%dma_wait3A_54 : memref<10016x128xf32, #tpu.memory_space<vmem_shared>>)
        tpu.yield
      }) : () -> ()
      %run_scoped3A_35 = arith.constant 7 : i32
      "tpu.region"() ({
        %run_scoped3A_44 = tpu.sem_alloc : memref<!tpu.dma_semaphore, #tpu.memory_space<semaphore_mem>>
        %dma_start3A = arith.constant 0 : i32
        %dma_start3A_45 = tpu.memref_slice %arg7[%run_scoped3A_35, %dma_start3A] : memref<16x128xi32, #tpu.memory_space<vmem>> -> memref<1x128xi32, #tpu.memory_space<vmem>>
        %dma_start3A_46 = tpu.memref_squeeze %dma_start3A_45 : memref<1x128xi32, #tpu.memory_space<vmem>> -> memref<128xi32, #tpu.memory_space<vmem>>
        %dma_start3A_47 = arith.constant 0 : i32
        %dma_start3A_48 = arith.constant 0 : i32
        %dma_start3A_49 = tpu.memref_slice %arg8[%dma_start3A_47, %dma_start3A_48] : memref<10016x128xf32, #tpu.memory_space<vmem_shared>> -> memref<10016x128xf32, #tpu.memory_space<vmem_shared>>
        tpu.enqueue_indirect_dma source(%arg6 : memref<128x128xf32, #tpu.memory_space<vmem>>) target(%dma_start3A_49 : memref<10016x128xf32, #tpu.memory_space<vmem_shared>>) offsets(%dma_start3A_46 : memref<128xi32, #tpu.memory_space<vmem>>) semaphore(%run_scoped3A_44 : memref<!tpu.dma_semaphore, #tpu.memory_space<semaphore_mem>>) {add = true}
        %dma_wait3A = arith.constant 0 : i32
        %dma_wait3A_50 = tpu.memref_slice %arg7[%run_scoped3A_35, %dma_wait3A] : memref<16x128xi32, #tpu.memory_space<vmem>> -> memref<1x128xi32, #tpu.memory_space<vmem>>
        %dma_wait3A_51 = tpu.memref_squeeze %dma_wait3A_50 : memref<1x128xi32, #tpu.memory_space<vmem>> -> memref<128xi32, #tpu.memory_space<vmem>>
        %dma_wait3A_52 = arith.constant 0 : i32
        %dma_wait3A_53 = arith.constant 0 : i32
        %dma_wait3A_54 = tpu.memref_slice %arg8[%dma_wait3A_52, %dma_wait3A_53] : memref<10016x128xf32, #tpu.memory_space<vmem_shared>> -> memref<10016x128xf32, #tpu.memory_space<vmem_shared>>
        tpu.wait_indirect_dma semaphore(%run_scoped3A_44 : memref<!tpu.dma_semaphore, #tpu.memory_space<semaphore_mem>>) src(%arg6 : memref<128x128xf32, #tpu.memory_space<vmem>>) dst(%dma_wait3A_54 : memref<10016x128xf32, #tpu.memory_space<vmem_shared>>)
        tpu.yield
      }) : () -> ()
      %run_scoped3A_36 = arith.constant 8 : i32
      "tpu.region"() ({
        %run_scoped3A_44 = tpu.sem_alloc : memref<!tpu.dma_semaphore, #tpu.memory_space<semaphore_mem>>
        %dma_start3A = arith.constant 0 : i32
        %dma_start3A_45 = tpu.memref_slice %arg7[%run_scoped3A_36, %dma_start3A] : memref<16x128xi32, #tpu.memory_space<vmem>> -> memref<1x128xi32, #tpu.memory_space<vmem>>
        %dma_start3A_46 = tpu.memref_squeeze %dma_start3A_45 : memref<1x128xi32, #tpu.memory_space<vmem>> -> memref<128xi32, #tpu.memory_space<vmem>>
        %dma_start3A_47 = arith.constant 0 : i32
        %dma_start3A_48 = arith.constant 0 : i32
        %dma_start3A_49 = tpu.memref_slice %arg8[%dma_start3A_47, %dma_start3A_48] : memref<10016x128xf32, #tpu.memory_space<vmem_shared>> -> memref<10016x128xf32, #tpu.memory_space<vmem_shared>>
        tpu.enqueue_indirect_dma source(%arg6 : memref<128x128xf32, #tpu.memory_space<vmem>>) target(%dma_start3A_49 : memref<10016x128xf32, #tpu.memory_space<vmem_shared>>) offsets(%dma_start3A_46 : memref<128xi32, #tpu.memory_space<vmem>>) semaphore(%run_scoped3A_44 : memref<!tpu.dma_semaphore, #tpu.memory_space<semaphore_mem>>) {add = true}
        %dma_wait3A = arith.constant 0 : i32
        %dma_wait3A_50 = tpu.memref_slice %arg7[%run_scoped3A_36, %dma_wait3A] : memref<16x128xi32, #tpu.memory_space<vmem>> -> memref<1x128xi32, #tpu.memory_space<vmem>>
        %dma_wait3A_51 = tpu.memref_squeeze %dma_wait3A_50 : memref<1x128xi32, #tpu.memory_space<vmem>> -> memref<128xi32, #tpu.memory_space<vmem>>
        %dma_wait3A_52 = arith.constant 0 : i32
        %dma_wait3A_53 = arith.constant 0 : i32
        %dma_wait3A_54 = tpu.memref_slice %arg8[%dma_wait3A_52, %dma_wait3A_53] : memref<10016x128xf32, #tpu.memory_space<vmem_shared>> -> memref<10016x128xf32, #tpu.memory_space<vmem_shared>>
        tpu.wait_indirect_dma semaphore(%run_scoped3A_44 : memref<!tpu.dma_semaphore, #tpu.memory_space<semaphore_mem>>) src(%arg6 : memref<128x128xf32, #tpu.memory_space<vmem>>) dst(%dma_wait3A_54 : memref<10016x128xf32, #tpu.memory_space<vmem_shared>>)
        tpu.yield
      }) : () -> ()
      %run_scoped3A_37 = arith.constant 9 : i32
      "tpu.region"() ({
        %run_scoped3A_44 = tpu.sem_alloc : memref<!tpu.dma_semaphore, #tpu.memory_space<semaphore_mem>>
        %dma_start3A = arith.constant 0 : i32
        %dma_start3A_45 = tpu.memref_slice %arg7[%run_scoped3A_37, %dma_start3A] : memref<16x128xi32, #tpu.memory_space<vmem>> -> memref<1x128xi32, #tpu.memory_space<vmem>>
        %dma_start3A_46 = tpu.memref_squeeze %dma_start3A_45 : memref<1x128xi32, #tpu.memory_space<vmem>> -> memref<128xi32, #tpu.memory_space<vmem>>
        %dma_start3A_47 = arith.constant 0 : i32
        %dma_start3A_48 = arith.constant 0 : i32
        %dma_start3A_49 = tpu.memref_slice %arg8[%dma_start3A_47, %dma_start3A_48] : memref<10016x128xf32, #tpu.memory_space<vmem_shared>> -> memref<10016x128xf32, #tpu.memory_space<vmem_shared>>
        tpu.enqueue_indirect_dma source(%arg6 : memref<128x128xf32, #tpu.memory_space<vmem>>) target(%dma_start3A_49 : memref<10016x128xf32, #tpu.memory_space<vmem_shared>>) offsets(%dma_start3A_46 : memref<128xi32, #tpu.memory_space<vmem>>) semaphore(%run_scoped3A_44 : memref<!tpu.dma_semaphore, #tpu.memory_space<semaphore_mem>>) {add = true}
        %dma_wait3A = arith.constant 0 : i32
        %dma_wait3A_50 = tpu.memref_slice %arg7[%run_scoped3A_37, %dma_wait3A] : memref<16x128xi32, #tpu.memory_space<vmem>> -> memref<1x128xi32, #tpu.memory_space<vmem>>
        %dma_wait3A_51 = tpu.memref_squeeze %dma_wait3A_50 : memref<1x128xi32, #tpu.memory_space<vmem>> -> memref<128xi32, #tpu.memory_space<vmem>>
        %dma_wait3A_52 = arith.constant 0 : i32
        %dma_wait3A_53 = arith.constant 0 : i32
        %dma_wait3A_54 = tpu.memref_slice %arg8[%dma_wait3A_52, %dma_wait3A_53] : memref<10016x128xf32, #tpu.memory_space<vmem_shared>> -> memref<10016x128xf32, #tpu.memory_space<vmem_shared>>
        tpu.wait_indirect_dma semaphore(%run_scoped3A_44 : memref<!tpu.dma_semaphore, #tpu.memory_space<semaphore_mem>>) src(%arg6 : memref<128x128xf32, #tpu.memory_space<vmem>>) dst(%dma_wait3A_54 : memref<10016x128xf32, #tpu.memory_space<vmem_shared>>)
        tpu.yield
      }) : () -> ()
      %run_scoped3A_38 = arith.constant 10 : i32
      "tpu.region"() ({
        %run_scoped3A_44 = tpu.sem_alloc : memref<!tpu.dma_semaphore, #tpu.memory_space<semaphore_mem>>
        %dma_start3A = arith.constant 0 : i32
        %dma_start3A_45 = tpu.memref_slice %arg7[%run_scoped3A_38, %dma_start3A] : memref<16x128xi32, #tpu.memory_space<vmem>> -> memref<1x128xi32, #tpu.memory_space<vmem>>
        %dma_start3A_46 = tpu.memref_squeeze %dma_start3A_45 : memref<1x128xi32, #tpu.memory_space<vmem>> -> memref<128xi32, #tpu.memory_space<vmem>>
        %dma_start3A_47 = arith.constant 0 : i32
        %dma_start3A_48 = arith.constant 0 : i32
        %dma_start3A_49 = tpu.memref_slice %arg8[%dma_start3A_47, %dma_start3A_48] : memref<10016x128xf32, #tpu.memory_space<vmem_shared>> -> memref<10016x128xf32, #tpu.memory_space<vmem_shared>>
        tpu.enqueue_indirect_dma source(%arg6 : memref<128x128xf32, #tpu.memory_space<vmem>>) target(%dma_start3A_49 : memref<10016x128xf32, #tpu.memory_space<vmem_shared>>) offsets(%dma_start3A_46 : memref<128xi32, #tpu.memory_space<vmem>>) semaphore(%run_scoped3A_44 : memref<!tpu.dma_semaphore, #tpu.memory_space<semaphore_mem>>) {add = true}
        %dma_wait3A = arith.constant 0 : i32
        %dma_wait3A_50 = tpu.memref_slice %arg7[%run_scoped3A_38, %dma_wait3A] : memref<16x128xi32, #tpu.memory_space<vmem>> -> memref<1x128xi32, #tpu.memory_space<vmem>>
        %dma_wait3A_51 = tpu.memref_squeeze %dma_wait3A_50 : memref<1x128xi32, #tpu.memory_space<vmem>> -> memref<128xi32, #tpu.memory_space<vmem>>
        %dma_wait3A_52 = arith.constant 0 : i32
        %dma_wait3A_53 = arith.constant 0 : i32
        %dma_wait3A_54 = tpu.memref_slice %arg8[%dma_wait3A_52, %dma_wait3A_53] : memref<10016x128xf32, #tpu.memory_space<vmem_shared>> -> memref<10016x128xf32, #tpu.memory_space<vmem_shared>>
        tpu.wait_indirect_dma semaphore(%run_scoped3A_44 : memref<!tpu.dma_semaphore, #tpu.memory_space<semaphore_mem>>) src(%arg6 : memref<128x128xf32, #tpu.memory_space<vmem>>) dst(%dma_wait3A_54 : memref<10016x128xf32, #tpu.memory_space<vmem_shared>>)
        tpu.yield
      }) : () -> ()
      %run_scoped3A_39 = arith.constant 11 : i32
      "tpu.region"() ({
        %run_scoped3A_44 = tpu.sem_alloc : memref<!tpu.dma_semaphore, #tpu.memory_space<semaphore_mem>>
        %dma_start3A = arith.constant 0 : i32
        %dma_start3A_45 = tpu.memref_slice %arg7[%run_scoped3A_39, %dma_start3A] : memref<16x128xi32, #tpu.memory_space<vmem>> -> memref<1x128xi32, #tpu.memory_space<vmem>>
        %dma_start3A_46 = tpu.memref_squeeze %dma_start3A_45 : memref<1x128xi32, #tpu.memory_space<vmem>> -> memref<128xi32, #tpu.memory_space<vmem>>
        %dma_start3A_47 = arith.constant 0 : i32
        %dma_start3A_48 = arith.constant 0 : i32
        %dma_start3A_49 = tpu.memref_slice %arg8[%dma_start3A_47, %dma_start3A_48] : memref<10016x128xf32, #tpu.memory_space<vmem_shared>> -> memref<10016x128xf32, #tpu.memory_space<vmem_shared>>
        tpu.enqueue_indirect_dma source(%arg6 : memref<128x128xf32, #tpu.memory_space<vmem>>) target(%dma_start3A_49 : memref<10016x128xf32, #tpu.memory_space<vmem_shared>>) offsets(%dma_start3A_46 : memref<128xi32, #tpu.memory_space<vmem>>) semaphore(%run_scoped3A_44 : memref<!tpu.dma_semaphore, #tpu.memory_space<semaphore_mem>>) {add = true}
        %dma_wait3A = arith.constant 0 : i32
        %dma_wait3A_50 = tpu.memref_slice %arg7[%run_scoped3A_39, %dma_wait3A] : memref<16x128xi32, #tpu.memory_space<vmem>> -> memref<1x128xi32, #tpu.memory_space<vmem>>
        %dma_wait3A_51 = tpu.memref_squeeze %dma_wait3A_50 : memref<1x128xi32, #tpu.memory_space<vmem>> -> memref<128xi32, #tpu.memory_space<vmem>>
        %dma_wait3A_52 = arith.constant 0 : i32
        %dma_wait3A_53 = arith.constant 0 : i32
        %dma_wait3A_54 = tpu.memref_slice %arg8[%dma_wait3A_52, %dma_wait3A_53] : memref<10016x128xf32, #tpu.memory_space<vmem_shared>> -> memref<10016x128xf32, #tpu.memory_space<vmem_shared>>
        tpu.wait_indirect_dma semaphore(%run_scoped3A_44 : memref<!tpu.dma_semaphore, #tpu.memory_space<semaphore_mem>>) src(%arg6 : memref<128x128xf32, #tpu.memory_space<vmem>>) dst(%dma_wait3A_54 : memref<10016x128xf32, #tpu.memory_space<vmem_shared>>)
        tpu.yield
      }) : () -> ()
      %run_scoped3A_40 = arith.constant 12 : i32
      "tpu.region"() ({
        %run_scoped3A_44 = tpu.sem_alloc : memref<!tpu.dma_semaphore, #tpu.memory_space<semaphore_mem>>
        %dma_start3A = arith.constant 0 : i32
        %dma_start3A_45 = tpu.memref_slice %arg7[%run_scoped3A_40, %dma_start3A] : memref<16x128xi32, #tpu.memory_space<vmem>> -> memref<1x128xi32, #tpu.memory_space<vmem>>
        %dma_start3A_46 = tpu.memref_squeeze %dma_start3A_45 : memref<1x128xi32, #tpu.memory_space<vmem>> -> memref<128xi32, #tpu.memory_space<vmem>>
        %dma_start3A_47 = arith.constant 0 : i32
        %dma_start3A_48 = arith.constant 0 : i32
        %dma_start3A_49 = tpu.memref_slice %arg8[%dma_start3A_47, %dma_start3A_48] : memref<10016x128xf32, #tpu.memory_space<vmem_shared>> -> memref<10016x128xf32, #tpu.memory_space<vmem_shared>>
        tpu.enqueue_indirect_dma source(%arg6 : memref<128x128xf32, #tpu.memory_space<vmem>>) target(%dma_start3A_49 : memref<10016x128xf32, #tpu.memory_space<vmem_shared>>) offsets(%dma_start3A_46 : memref<128xi32, #tpu.memory_space<vmem>>) semaphore(%run_scoped3A_44 : memref<!tpu.dma_semaphore, #tpu.memory_space<semaphore_mem>>) {add = true}
        %dma_wait3A = arith.constant 0 : i32
        %dma_wait3A_50 = tpu.memref_slice %arg7[%run_scoped3A_40, %dma_wait3A] : memref<16x128xi32, #tpu.memory_space<vmem>> -> memref<1x128xi32, #tpu.memory_space<vmem>>
        %dma_wait3A_51 = tpu.memref_squeeze %dma_wait3A_50 : memref<1x128xi32, #tpu.memory_space<vmem>> -> memref<128xi32, #tpu.memory_space<vmem>>
        %dma_wait3A_52 = arith.constant 0 : i32
        %dma_wait3A_53 = arith.constant 0 : i32
        %dma_wait3A_54 = tpu.memref_slice %arg8[%dma_wait3A_52, %dma_wait3A_53] : memref<10016x128xf32, #tpu.memory_space<vmem_shared>> -> memref<10016x128xf32, #tpu.memory_space<vmem_shared>>
        tpu.wait_indirect_dma semaphore(%run_scoped3A_44 : memref<!tpu.dma_semaphore, #tpu.memory_space<semaphore_mem>>) src(%arg6 : memref<128x128xf32, #tpu.memory_space<vmem>>) dst(%dma_wait3A_54 : memref<10016x128xf32, #tpu.memory_space<vmem_shared>>)
        tpu.yield
      }) : () -> ()
      %run_scoped3A_41 = arith.constant 13 : i32
      "tpu.region"() ({
        %run_scoped3A_44 = tpu.sem_alloc : memref<!tpu.dma_semaphore, #tpu.memory_space<semaphore_mem>>
        %dma_start3A = arith.constant 0 : i32
        %dma_start3A_45 = tpu.memref_slice %arg7[%run_scoped3A_41, %dma_start3A] : memref<16x128xi32, #tpu.memory_space<vmem>> -> memref<1x128xi32, #tpu.memory_space<vmem>>
        %dma_start3A_46 = tpu.memref_squeeze %dma_start3A_45 : memref<1x128xi32, #tpu.memory_space<vmem>> -> memref<128xi32, #tpu.memory_space<vmem>>
        %dma_start3A_47 = arith.constant 0 : i32
        %dma_start3A_48 = arith.constant 0 : i32
        %dma_start3A_49 = tpu.memref_slice %arg8[%dma_start3A_47, %dma_start3A_48] : memref<10016x128xf32, #tpu.memory_space<vmem_shared>> -> memref<10016x128xf32, #tpu.memory_space<vmem_shared>>
        tpu.enqueue_indirect_dma source(%arg6 : memref<128x128xf32, #tpu.memory_space<vmem>>) target(%dma_start3A_49 : memref<10016x128xf32, #tpu.memory_space<vmem_shared>>) offsets(%dma_start3A_46 : memref<128xi32, #tpu.memory_space<vmem>>) semaphore(%run_scoped3A_44 : memref<!tpu.dma_semaphore, #tpu.memory_space<semaphore_mem>>) {add = true}
        %dma_wait3A = arith.constant 0 : i32
        %dma_wait3A_50 = tpu.memref_slice %arg7[%run_scoped3A_41, %dma_wait3A] : memref<16x128xi32, #tpu.memory_space<vmem>> -> memref<1x128xi32, #tpu.memory_space<vmem>>
        %dma_wait3A_51 = tpu.memref_squeeze %dma_wait3A_50 : memref<1x128xi32, #tpu.memory_space<vmem>> -> memref<128xi32, #tpu.memory_space<vmem>>
        %dma_wait3A_52 = arith.constant 0 : i32
        %dma_wait3A_53 = arith.constant 0 : i32
        %dma_wait3A_54 = tpu.memref_slice %arg8[%dma_wait3A_52, %dma_wait3A_53] : memref<10016x128xf32, #tpu.memory_space<vmem_shared>> -> memref<10016x128xf32, #tpu.memory_space<vmem_shared>>
        tpu.wait_indirect_dma semaphore(%run_scoped3A_44 : memref<!tpu.dma_semaphore, #tpu.memory_space<semaphore_mem>>) src(%arg6 : memref<128x128xf32, #tpu.memory_space<vmem>>) dst(%dma_wait3A_54 : memref<10016x128xf32, #tpu.memory_space<vmem_shared>>)
        tpu.yield
      }) : () -> ()
      %run_scoped3A_42 = arith.constant 14 : i32
      "tpu.region"() ({
        %run_scoped3A_44 = tpu.sem_alloc : memref<!tpu.dma_semaphore, #tpu.memory_space<semaphore_mem>>
        %dma_start3A = arith.constant 0 : i32
        %dma_start3A_45 = tpu.memref_slice %arg7[%run_scoped3A_42, %dma_start3A] : memref<16x128xi32, #tpu.memory_space<vmem>> -> memref<1x128xi32, #tpu.memory_space<vmem>>
        %dma_start3A_46 = tpu.memref_squeeze %dma_start3A_45 : memref<1x128xi32, #tpu.memory_space<vmem>> -> memref<128xi32, #tpu.memory_space<vmem>>
        %dma_start3A_47 = arith.constant 0 : i32
        %dma_start3A_48 = arith.constant 0 : i32
        %dma_start3A_49 = tpu.memref_slice %arg8[%dma_start3A_47, %dma_start3A_48] : memref<10016x128xf32, #tpu.memory_space<vmem_shared>> -> memref<10016x128xf32, #tpu.memory_space<vmem_shared>>
        tpu.enqueue_indirect_dma source(%arg6 : memref<128x128xf32, #tpu.memory_space<vmem>>) target(%dma_start3A_49 : memref<10016x128xf32, #tpu.memory_space<vmem_shared>>) offsets(%dma_start3A_46 : memref<128xi32, #tpu.memory_space<vmem>>) semaphore(%run_scoped3A_44 : memref<!tpu.dma_semaphore, #tpu.memory_space<semaphore_mem>>) {add = true}
        %dma_wait3A = arith.constant 0 : i32
        %dma_wait3A_50 = tpu.memref_slice %arg7[%run_scoped3A_42, %dma_wait3A] : memref<16x128xi32, #tpu.memory_space<vmem>> -> memref<1x128xi32, #tpu.memory_space<vmem>>
        %dma_wait3A_51 = tpu.memref_squeeze %dma_wait3A_50 : memref<1x128xi32, #tpu.memory_space<vmem>> -> memref<128xi32, #tpu.memory_space<vmem>>
        %dma_wait3A_52 = arith.constant 0 : i32
        %dma_wait3A_53 = arith.constant 0 : i32
        %dma_wait3A_54 = tpu.memref_slice %arg8[%dma_wait3A_52, %dma_wait3A_53] : memref<10016x128xf32, #tpu.memory_space<vmem_shared>> -> memref<10016x128xf32, #tpu.memory_space<vmem_shared>>
        tpu.wait_indirect_dma semaphore(%run_scoped3A_44 : memref<!tpu.dma_semaphore, #tpu.memory_space<semaphore_mem>>) src(%arg6 : memref<128x128xf32, #tpu.memory_space<vmem>>) dst(%dma_wait3A_54 : memref<10016x128xf32, #tpu.memory_space<vmem_shared>>)
        tpu.yield
      }) : () -> ()
      %run_scoped3A_43 = arith.constant 15 : i32
      "tpu.region"() ({
        %run_scoped3A_44 = tpu.sem_alloc : memref<!tpu.dma_semaphore, #tpu.memory_space<semaphore_mem>>
        %dma_start3A = arith.constant 0 : i32
        %dma_start3A_45 = tpu.memref_slice %arg7[%run_scoped3A_43, %dma_start3A] : memref<16x128xi32, #tpu.memory_space<vmem>> -> memref<1x128xi32, #tpu.memory_space<vmem>>
        %dma_start3A_46 = tpu.memref_squeeze %dma_start3A_45 : memref<1x128xi32, #tpu.memory_space<vmem>> -> memref<128xi32, #tpu.memory_space<vmem>>
        %dma_start3A_47 = arith.constant 0 : i32
        %dma_start3A_48 = arith.constant 0 : i32
        %dma_start3A_49 = tpu.memref_slice %arg8[%dma_start3A_47, %dma_start3A_48] : memref<10016x128xf32, #tpu.memory_space<vmem_shared>> -> memref<10016x128xf32, #tpu.memory_space<vmem_shared>>
        tpu.enqueue_indirect_dma source(%arg6 : memref<128x128xf32, #tpu.memory_space<vmem>>) target(%dma_start3A_49 : memref<10016x128xf32, #tpu.memory_space<vmem_shared>>) offsets(%dma_start3A_46 : memref<128xi32, #tpu.memory_space<vmem>>) semaphore(%run_scoped3A_44 : memref<!tpu.dma_semaphore, #tpu.memory_space<semaphore_mem>>) {add = true}
        %dma_wait3A = arith.constant 0 : i32
        %dma_wait3A_50 = tpu.memref_slice %arg7[%run_scoped3A_43, %dma_wait3A] : memref<16x128xi32, #tpu.memory_space<vmem>> -> memref<1x128xi32, #tpu.memory_space<vmem>>
        %dma_wait3A_51 = tpu.memref_squeeze %dma_wait3A_50 : memref<1x128xi32, #tpu.memory_space<vmem>> -> memref<128xi32, #tpu.memory_space<vmem>>
        %dma_wait3A_52 = arith.constant 0 : i32
        %dma_wait3A_53 = arith.constant 0 : i32
        %dma_wait3A_54 = tpu.memref_slice %arg8[%dma_wait3A_52, %dma_wait3A_53] : memref<10016x128xf32, #tpu.memory_space<vmem_shared>> -> memref<10016x128xf32, #tpu.memory_space<vmem_shared>>
        tpu.wait_indirect_dma semaphore(%run_scoped3A_44 : memref<!tpu.dma_semaphore, #tpu.memory_space<semaphore_mem>>) src(%arg6 : memref<128x128xf32, #tpu.memory_space<vmem>>) dst(%dma_wait3A_54 : memref<10016x128xf32, #tpu.memory_space<vmem_shared>>)
        tpu.yield
      }) : () -> ()
    }
    %scan3A_10 = arith.constant 5 : i32
    %barrier3A_11 = arith.constant 0 : index
    tpu.barrier barrier_id(%barrier3A_11)
    %lt3A_12 = arith.constant 15 : i32
    %lt3A_13 = arith.cmpi slt, %arg1, %lt3A_12 : i32
    %convert_element_type3A_14 = arith.extui %lt3A_13 : i1 to i32
    %cond3A_15 = arith.constant 0 : i32
    %cond3A_16 = arith.cmpi ne, %convert_element_type3A_14, %cond3A_15 : i32
    scf.if %cond3A_16 {
      %mul3A = arith.constant 624 : i32
      %mul3A_22 = arith.muli %arg1, %mul3A : i32
      "tpu.region"() ({
        %run_scoped3A = tpu.sem_alloc : memref<!tpu.dma_semaphore, #tpu.memory_space<semaphore_mem>>
        %dma_start3A = arith.constant 0 : i32
        %dma_start3A_23 = tpu.memref_slice %arg5[%arg0, %mul3A_22, %dma_start3A] : memref<2x10000x128xf32, #tpu.memory_space<hbm>> -> memref<1x624x128xf32, #tpu.memory_space<hbm>>
        %dma_start3A_24 = tpu.memref_squeeze %dma_start3A_23 : memref<1x624x128xf32, #tpu.memory_space<hbm>> -> memref<624x128xf32, #tpu.memory_space<hbm>>
        %dma_start3A_25 = arith.constant 0 : i32
        %dma_start3A_26 = tpu.memref_slice %arg8[%mul3A_22, %dma_start3A_25] : memref<10016x128xf32, #tpu.memory_space<vmem_shared>> -> memref<624x128xf32, #tpu.memory_space<vmem_shared>>
        tpu.enqueue_dma source(%dma_start3A_26 : memref<624x128xf32, #tpu.memory_space<vmem_shared>>) target(%dma_start3A_24 : memref<624x128xf32, #tpu.memory_space<hbm>>) target_semaphore(%run_scoped3A : memref<!tpu.dma_semaphore, #tpu.memory_space<semaphore_mem>>)
        %dma_wait3A = arith.constant 0 : i32
        %dma_wait3A_27 = tpu.memref_slice %arg5[%arg0, %mul3A_22, %dma_wait3A] : memref<2x10000x128xf32, #tpu.memory_space<hbm>> -> memref<1x624x128xf32, #tpu.memory_space<hbm>>
        %dma_wait3A_28 = tpu.memref_squeeze %dma_wait3A_27 : memref<1x624x128xf32, #tpu.memory_space<hbm>> -> memref<624x128xf32, #tpu.memory_space<hbm>>
        %dma_wait3A_29 = arith.constant 0 : i32
        %dma_wait3A_30 = tpu.memref_slice %arg8[%mul3A_22, %dma_wait3A_29] : memref<10016x128xf32, #tpu.memory_space<vmem_shared>> -> memref<624x128xf32, #tpu.memory_space<vmem_shared>>
        tpu.wait_dma2 semaphore(%run_scoped3A : memref<!tpu.dma_semaphore, #tpu.memory_space<semaphore_mem>>) src(%dma_wait3A_30 : memref<624x128xf32, #tpu.memory_space<vmem_shared>>) dst(%dma_wait3A_28 : memref<624x128xf32, #tpu.memory_space<hbm>>)
        tpu.yield
      }) : () -> ()
    } else {
    }
    %eq3A_17 = arith.constant 15 : i32
    %eq3A_18 = arith.cmpi eq, %arg1, %eq3A_17 : i32
    %convert_element_type3A_19 = arith.extui %eq3A_18 : i1 to i32
    %cond3A_20 = arith.constant 0 : i32
    %cond3A_21 = arith.cmpi ne, %convert_element_type3A_19, %cond3A_20 : i32
    scf.if %cond3A_21 {
      "tpu.region"() ({
        %run_scoped3A = tpu.sem_alloc : memref<!tpu.dma_semaphore, #tpu.memory_space<semaphore_mem>>
        %dma_start3A = arith.constant 9360 : i32
        %dma_start3A_22 = arith.constant 0 : i32
        %dma_start3A_23 = tpu.memref_slice %arg5[%arg0, %dma_start3A, %dma_start3A_22] : memref<2x10000x128xf32, #tpu.memory_space<hbm>> -> memref<1x640x128xf32, #tpu.memory_space<hbm>>
        %dma_start3A_24 = tpu.memref_squeeze %dma_start3A_23 : memref<1x640x128xf32, #tpu.memory_space<hbm>> -> memref<640x128xf32, #tpu.memory_space<hbm>>
        %dma_start3A_25 = arith.constant 9360 : i32
        %dma_start3A_26 = arith.constant 0 : i32
        %dma_start3A_27 = tpu.memref_slice %arg8[%dma_start3A_25, %dma_start3A_26] : memref<10016x128xf32, #tpu.memory_space<vmem_shared>> -> memref<640x128xf32, #tpu.memory_space<vmem_shared>>
        tpu.enqueue_dma source(%dma_start3A_27 : memref<640x128xf32, #tpu.memory_space<vmem_shared>>) target(%dma_start3A_24 : memref<640x128xf32, #tpu.memory_space<hbm>>) target_semaphore(%run_scoped3A : memref<!tpu.dma_semaphore, #tpu.memory_space<semaphore_mem>>)
        %dma_wait3A = arith.constant 9360 : i32
        %dma_wait3A_28 = arith.constant 0 : i32
        %dma_wait3A_29 = tpu.memref_slice %arg5[%arg0, %dma_wait3A, %dma_wait3A_28] : memref<2x10000x128xf32, #tpu.memory_space<hbm>> -> memref<1x640x128xf32, #tpu.memory_space<hbm>>
        %dma_wait3A_30 = tpu.memref_squeeze %dma_wait3A_29 : memref<1x640x128xf32, #tpu.memory_space<hbm>> -> memref<640x128xf32, #tpu.memory_space<hbm>>
        %dma_wait3A_31 = arith.constant 9360 : i32
        %dma_wait3A_32 = arith.constant 0 : i32
        %dma_wait3A_33 = tpu.memref_slice %arg8[%dma_wait3A_31, %dma_wait3A_32] : memref<10016x128xf32, #tpu.memory_space<vmem_shared>> -> memref<640x128xf32, #tpu.memory_space<vmem_shared>>
        tpu.wait_dma2 semaphore(%run_scoped3A : memref<!tpu.dma_semaphore, #tpu.memory_space<semaphore_mem>>) src(%dma_wait3A_33 : memref<640x128xf32, #tpu.memory_space<vmem_shared>>) dst(%dma_wait3A_30 : memref<640x128xf32, #tpu.memory_space<hbm>>)
        tpu.yield
      }) : () -> ()
    } else {
    }
    return
  }
}

#map = affine_map<(d0, d1) -> (0)>
#map1 = affine_map<(d0, d1) -> (0, 0)>
#map2 = affine_map<(d0, d1) -> (0, 0, 0)>
module attributes {stable_mosaic.version = 14 : i64} {
  func.func @_sc_prop1_body(%arg0: i32, %arg1: i32, %arg2: memref<320000xi32, #tpu.memory_space<hbm>>, %arg3: memref<320000xi32, #tpu.memory_space<hbm>>, %arg4: memref<20000x128xf32, #tpu.memory_space<hbm>>, %arg5: memref<10000x128xf32, #tpu.memory_space<hbm>>, %arg6: memref<2x10000x128xf32, #tpu.memory_space<hbm>>, %arg7: memref<128xi32, #tpu.memory_space<vmem>>, %arg8: memref<128xi32, #tpu.memory_space<vmem>>, %arg9: memref<128xi32, #tpu.memory_space<vmem>>, %arg10: memref<128x128xf32, #tpu.memory_space<vmem>>, %arg11: memref<10000x128xf32, #tpu.memory_space<vmem_shared>>, %arg12: memref<!tpu.dma_semaphore, #tpu.memory_space<semaphore_mem>>, %arg13: memref<!tpu.dma_semaphore, #tpu.memory_space<semaphore_mem>>, %arg14: memref<!tpu.dma_semaphore, #tpu.memory_space<semaphore_mem>>) attributes {dimension_semantics = [#tpu.dimension_semantics<core_parallel>, #tpu.dimension_semantics<subcore_parallel>], iteration_bounds = array<i64: 2, 16>, scalar_prefetch = 0 : i64, scratch_operands = 8 : i64, tpu.core_type = #tpu.core_type<sc_vector_subcore>, window_params = [{transform_indices = #map}, {transform_indices = #map}, {transform_indices = #map1}, {transform_indices = #map1}, {transform_indices = #map2}]} {
    %lt3A = arith.constant 15 : i32
    %lt3A_0 = arith.cmpi slt, %arg1, %lt3A : i32
    %convert_element_type3A = arith.extui %lt3A_0 : i1 to i32
    %cond3A = arith.constant 0 : i32
    %cond3A_1 = arith.cmpi ne, %convert_element_type3A, %cond3A : i32
    scf.if %cond3A_1 {
      %mul3A_23 = arith.constant 624 : i32
      %mul3A_24 = arith.muli %arg1, %mul3A_23 : i32
      "tpu.region"() ({
        %run_scoped3A = tpu.sem_alloc : memref<!tpu.dma_semaphore, #tpu.memory_space<semaphore_mem>>
        %dma_start3A = arith.constant 0 : i32
        %dma_start3A_25 = tpu.memref_slice %arg11[%mul3A_24, %dma_start3A] : memref<10000x128xf32, #tpu.memory_space<vmem_shared>> -> memref<624x128xf32, #tpu.memory_space<vmem_shared>>
        %dma_start3A_26 = arith.constant 0 : i32
        %dma_start3A_27 = tpu.memref_slice %arg5[%mul3A_24, %dma_start3A_26] : memref<10000x128xf32, #tpu.memory_space<hbm>> -> memref<624x128xf32, #tpu.memory_space<hbm>>
        tpu.enqueue_dma source(%dma_start3A_27 : memref<624x128xf32, #tpu.memory_space<hbm>>) target(%dma_start3A_25 : memref<624x128xf32, #tpu.memory_space<vmem_shared>>) target_semaphore(%run_scoped3A : memref<!tpu.dma_semaphore, #tpu.memory_space<semaphore_mem>>)
        %dma_wait3A = arith.constant 0 : i32
        %dma_wait3A_28 = tpu.memref_slice %arg11[%mul3A_24, %dma_wait3A] : memref<10000x128xf32, #tpu.memory_space<vmem_shared>> -> memref<624x128xf32, #tpu.memory_space<vmem_shared>>
        %dma_wait3A_29 = arith.constant 0 : i32
        %dma_wait3A_30 = tpu.memref_slice %arg5[%mul3A_24, %dma_wait3A_29] : memref<10000x128xf32, #tpu.memory_space<hbm>> -> memref<624x128xf32, #tpu.memory_space<hbm>>
        tpu.wait_dma2 semaphore(%run_scoped3A : memref<!tpu.dma_semaphore, #tpu.memory_space<semaphore_mem>>) src(%dma_wait3A_30 : memref<624x128xf32, #tpu.memory_space<hbm>>) dst(%dma_wait3A_28 : memref<624x128xf32, #tpu.memory_space<vmem_shared>>)
        tpu.yield
      }) : () -> ()
    } else {
    }
    %eq3A = arith.constant 15 : i32
    %eq3A_2 = arith.cmpi eq, %arg1, %eq3A : i32
    %convert_element_type3A_3 = arith.extui %eq3A_2 : i1 to i32
    %cond3A_4 = arith.constant 0 : i32
    %cond3A_5 = arith.cmpi ne, %convert_element_type3A_3, %cond3A_4 : i32
    scf.if %cond3A_5 {
      "tpu.region"() ({
        %run_scoped3A = tpu.sem_alloc : memref<!tpu.dma_semaphore, #tpu.memory_space<semaphore_mem>>
        %dma_start3A = arith.constant 9360 : i32
        %dma_start3A_23 = arith.constant 0 : i32
        %dma_start3A_24 = tpu.memref_slice %arg11[%dma_start3A, %dma_start3A_23] : memref<10000x128xf32, #tpu.memory_space<vmem_shared>> -> memref<640x128xf32, #tpu.memory_space<vmem_shared>>
        %dma_start3A_25 = arith.constant 9360 : i32
        %dma_start3A_26 = arith.constant 0 : i32
        %dma_start3A_27 = tpu.memref_slice %arg5[%dma_start3A_25, %dma_start3A_26] : memref<10000x128xf32, #tpu.memory_space<hbm>> -> memref<640x128xf32, #tpu.memory_space<hbm>>
        tpu.enqueue_dma source(%dma_start3A_27 : memref<640x128xf32, #tpu.memory_space<hbm>>) target(%dma_start3A_24 : memref<640x128xf32, #tpu.memory_space<vmem_shared>>) target_semaphore(%run_scoped3A : memref<!tpu.dma_semaphore, #tpu.memory_space<semaphore_mem>>)
        %dma_wait3A = arith.constant 9360 : i32
        %dma_wait3A_28 = arith.constant 0 : i32
        %dma_wait3A_29 = tpu.memref_slice %arg11[%dma_wait3A, %dma_wait3A_28] : memref<10000x128xf32, #tpu.memory_space<vmem_shared>> -> memref<640x128xf32, #tpu.memory_space<vmem_shared>>
        %dma_wait3A_30 = arith.constant 9360 : i32
        %dma_wait3A_31 = arith.constant 0 : i32
        %dma_wait3A_32 = tpu.memref_slice %arg5[%dma_wait3A_30, %dma_wait3A_31] : memref<10000x128xf32, #tpu.memory_space<hbm>> -> memref<640x128xf32, #tpu.memory_space<hbm>>
        tpu.wait_dma2 semaphore(%run_scoped3A : memref<!tpu.dma_semaphore, #tpu.memory_space<semaphore_mem>>) src(%dma_wait3A_32 : memref<640x128xf32, #tpu.memory_space<hbm>>) dst(%dma_wait3A_29 : memref<640x128xf32, #tpu.memory_space<vmem_shared>>)
        tpu.yield
      }) : () -> ()
    } else {
    }
    %barrier3A = arith.constant 0 : index
    tpu.barrier barrier_id(%barrier3A)
    %mul3A = arith.constant 10000 : i32
    %mul3A_6 = arith.muli %arg0, %mul3A : i32
    %broadcast_in_dim3A = vector.broadcast %mul3A_6 : i32 to vector<16xi32>
    %scan3A = arith.constant 0 : i32
    %scan3A_7 = arith.constant 0 : i32
    %scan3A_8 = arith.constant 157 : i32
    %scan3A_9 = arith.addi %scan3A_7, %scan3A_8 : i32
    %scan3A_10 = arith.constant 1 : i32
    scf.for %scan3A_23 = %scan3A_7 to %scan3A_9 step %scan3A_10  : i32 {
      %mul3A_24 = arith.constant 16 : i32
      %mul3A_25 = arith.muli %scan3A_23, %mul3A_24 : i32
      %add3A = arith.addi %mul3A_25, %arg1 : i32
      %lt3A_26 = arith.constant 2500 : i32
      %lt3A_27 = arith.cmpi slt, %add3A, %lt3A_26 : i32
      %convert_element_type3A_28 = arith.extui %lt3A_27 : i1 to i32
      %cond3A_29 = arith.constant 0 : i32
      %cond3A_30 = arith.cmpi ne, %convert_element_type3A_28, %cond3A_29 : i32
      scf.if %cond3A_30 {
        %mul3A_31 = arith.constant 128 : i32
        %mul3A_32 = arith.muli %add3A, %mul3A_31 : i32
        %dma_start3A = tpu.memref_slice %arg2[%mul3A_32] : memref<320000xi32, #tpu.memory_space<hbm>> -> memref<128xi32, #tpu.memory_space<hbm>>
        %dma_start3A_33 = tpu.memref_slice %arg2[%mul3A_32] : memref<320000xi32, #tpu.memory_space<hbm>> -> memref<128xi32, #tpu.memory_space<hbm>>
        tpu.enqueue_dma source(%dma_start3A_33 : memref<128xi32, #tpu.memory_space<hbm>>) target(%arg7 : memref<128xi32, #tpu.memory_space<vmem>>) target_semaphore(%arg13 : memref<!tpu.dma_semaphore, #tpu.memory_space<semaphore_mem>>)
        %dma_start3A_34 = tpu.memref_slice %arg3[%mul3A_32] : memref<320000xi32, #tpu.memory_space<hbm>> -> memref<128xi32, #tpu.memory_space<hbm>>
        %dma_start3A_35 = tpu.memref_slice %arg3[%mul3A_32] : memref<320000xi32, #tpu.memory_space<hbm>> -> memref<128xi32, #tpu.memory_space<hbm>>
        tpu.enqueue_dma source(%dma_start3A_35 : memref<128xi32, #tpu.memory_space<hbm>>) target(%arg9 : memref<128xi32, #tpu.memory_space<vmem>>) target_semaphore(%arg14 : memref<!tpu.dma_semaphore, #tpu.memory_space<semaphore_mem>>)
        %dma_wait3A = tpu.memref_slice %arg2[%mul3A_32] : memref<320000xi32, #tpu.memory_space<hbm>> -> memref<128xi32, #tpu.memory_space<hbm>>
        %dma_wait3A_36 = tpu.memref_slice %arg2[%mul3A_32] : memref<320000xi32, #tpu.memory_space<hbm>> -> memref<128xi32, #tpu.memory_space<hbm>>
        tpu.wait_dma2 semaphore(%arg13 : memref<!tpu.dma_semaphore, #tpu.memory_space<semaphore_mem>>) src(%dma_wait3A_36 : memref<128xi32, #tpu.memory_space<hbm>>) dst(%arg7 : memref<128xi32, #tpu.memory_space<vmem>>)
        %get3A = arith.constant 0 : index
        %get3A_37 = tpu.vector_load %arg7[%get3A] {strides = array<i32>} : memref<128xi32, #tpu.memory_space<vmem>>, vector<16xi32>,
        %get3A_38 = vector.shape_cast %get3A_37 : vector<16xi32> to vector<16xi32>
        %add3A_39 = arith.addi %get3A_38, %broadcast_in_dim3A : vector<16xi32>
        %swap3A = arith.constant 0 : index
        %swap3A_40 = tpu.vector_load %arg8[%swap3A] {strides = array<i32>} : memref<128xi32, #tpu.memory_space<vmem>>, vector<16xi32>,
        %swap3A_41 = vector.shape_cast %swap3A_40 : vector<16xi32> to vector<16xi32>
        %swap3A_42 = vector.shape_cast %add3A_39 : vector<16xi32> to vector<16xi32>
        tpu.vector_store %arg8[%swap3A], %swap3A_42 {strides = array<i32>} : memref<128xi32, #tpu.memory_space<vmem>>, vector<16xi32>,
        %get3A_43 = arith.constant 16 : index
        %get3A_44 = tpu.vector_load %arg7[%get3A_43] {strides = array<i32>} : memref<128xi32, #tpu.memory_space<vmem>>, vector<16xi32>,
        %get3A_45 = vector.shape_cast %get3A_44 : vector<16xi32> to vector<16xi32>
        %add3A_46 = arith.addi %get3A_45, %broadcast_in_dim3A : vector<16xi32>
        %swap3A_47 = arith.constant 16 : index
        %swap3A_48 = tpu.vector_load %arg8[%swap3A_47] {strides = array<i32>} : memref<128xi32, #tpu.memory_space<vmem>>, vector<16xi32>,
        %swap3A_49 = vector.shape_cast %swap3A_48 : vector<16xi32> to vector<16xi32>
        %swap3A_50 = vector.shape_cast %add3A_46 : vector<16xi32> to vector<16xi32>
        tpu.vector_store %arg8[%swap3A_47], %swap3A_50 {strides = array<i32>} : memref<128xi32, #tpu.memory_space<vmem>>, vector<16xi32>,
        %get3A_51 = arith.constant 32 : index
        %get3A_52 = tpu.vector_load %arg7[%get3A_51] {strides = array<i32>} : memref<128xi32, #tpu.memory_space<vmem>>, vector<16xi32>,
        %get3A_53 = vector.shape_cast %get3A_52 : vector<16xi32> to vector<16xi32>
        %add3A_54 = arith.addi %get3A_53, %broadcast_in_dim3A : vector<16xi32>
        %swap3A_55 = arith.constant 32 : index
        %swap3A_56 = tpu.vector_load %arg8[%swap3A_55] {strides = array<i32>} : memref<128xi32, #tpu.memory_space<vmem>>, vector<16xi32>,
        %swap3A_57 = vector.shape_cast %swap3A_56 : vector<16xi32> to vector<16xi32>
        %swap3A_58 = vector.shape_cast %add3A_54 : vector<16xi32> to vector<16xi32>
        tpu.vector_store %arg8[%swap3A_55], %swap3A_58 {strides = array<i32>} : memref<128xi32, #tpu.memory_space<vmem>>, vector<16xi32>,
        %get3A_59 = arith.constant 48 : index
        %get3A_60 = tpu.vector_load %arg7[%get3A_59] {strides = array<i32>} : memref<128xi32, #tpu.memory_space<vmem>>, vector<16xi32>,
        %get3A_61 = vector.shape_cast %get3A_60 : vector<16xi32> to vector<16xi32>
        %add3A_62 = arith.addi %get3A_61, %broadcast_in_dim3A : vector<16xi32>
        %swap3A_63 = arith.constant 48 : index
        %swap3A_64 = tpu.vector_load %arg8[%swap3A_63] {strides = array<i32>} : memref<128xi32, #tpu.memory_space<vmem>>, vector<16xi32>,
        %swap3A_65 = vector.shape_cast %swap3A_64 : vector<16xi32> to vector<16xi32>
        %swap3A_66 = vector.shape_cast %add3A_62 : vector<16xi32> to vector<16xi32>
        tpu.vector_store %arg8[%swap3A_63], %swap3A_66 {strides = array<i32>} : memref<128xi32, #tpu.memory_space<vmem>>, vector<16xi32>,
        %get3A_67 = arith.constant 64 : index
        %get3A_68 = tpu.vector_load %arg7[%get3A_67] {strides = array<i32>} : memref<128xi32, #tpu.memory_space<vmem>>, vector<16xi32>,
        %get3A_69 = vector.shape_cast %get3A_68 : vector<16xi32> to vector<16xi32>
        %add3A_70 = arith.addi %get3A_69, %broadcast_in_dim3A : vector<16xi32>
        %swap3A_71 = arith.constant 64 : index
        %swap3A_72 = tpu.vector_load %arg8[%swap3A_71] {strides = array<i32>} : memref<128xi32, #tpu.memory_space<vmem>>, vector<16xi32>,
        %swap3A_73 = vector.shape_cast %swap3A_72 : vector<16xi32> to vector<16xi32>
        %swap3A_74 = vector.shape_cast %add3A_70 : vector<16xi32> to vector<16xi32>
        tpu.vector_store %arg8[%swap3A_71], %swap3A_74 {strides = array<i32>} : memref<128xi32, #tpu.memory_space<vmem>>, vector<16xi32>,
        %get3A_75 = arith.constant 80 : index
        %get3A_76 = tpu.vector_load %arg7[%get3A_75] {strides = array<i32>} : memref<128xi32, #tpu.memory_space<vmem>>, vector<16xi32>,
        %get3A_77 = vector.shape_cast %get3A_76 : vector<16xi32> to vector<16xi32>
        %add3A_78 = arith.addi %get3A_77, %broadcast_in_dim3A : vector<16xi32>
        %swap3A_79 = arith.constant 80 : index
        %swap3A_80 = tpu.vector_load %arg8[%swap3A_79] {strides = array<i32>} : memref<128xi32, #tpu.memory_space<vmem>>, vector<16xi32>,
        %swap3A_81 = vector.shape_cast %swap3A_80 : vector<16xi32> to vector<16xi32>
        %swap3A_82 = vector.shape_cast %add3A_78 : vector<16xi32> to vector<16xi32>
        tpu.vector_store %arg8[%swap3A_79], %swap3A_82 {strides = array<i32>} : memref<128xi32, #tpu.memory_space<vmem>>, vector<16xi32>,
        %get3A_83 = arith.constant 96 : index
        %get3A_84 = tpu.vector_load %arg7[%get3A_83] {strides = array<i32>} : memref<128xi32, #tpu.memory_space<vmem>>, vector<16xi32>,
        %get3A_85 = vector.shape_cast %get3A_84 : vector<16xi32> to vector<16xi32>
        %add3A_86 = arith.addi %get3A_85, %broadcast_in_dim3A : vector<16xi32>
        %swap3A_87 = arith.constant 96 : index
        %swap3A_88 = tpu.vector_load %arg8[%swap3A_87] {strides = array<i32>} : memref<128xi32, #tpu.memory_space<vmem>>, vector<16xi32>,
        %swap3A_89 = vector.shape_cast %swap3A_88 : vector<16xi32> to vector<16xi32>
        %swap3A_90 = vector.shape_cast %add3A_86 : vector<16xi32> to vector<16xi32>
        tpu.vector_store %arg8[%swap3A_87], %swap3A_90 {strides = array<i32>} : memref<128xi32, #tpu.memory_space<vmem>>, vector<16xi32>,
        %get3A_91 = arith.constant 112 : index
        %get3A_92 = tpu.vector_load %arg7[%get3A_91] {strides = array<i32>} : memref<128xi32, #tpu.memory_space<vmem>>, vector<16xi32>,
        %get3A_93 = vector.shape_cast %get3A_92 : vector<16xi32> to vector<16xi32>
        %add3A_94 = arith.addi %get3A_93, %broadcast_in_dim3A : vector<16xi32>
        %swap3A_95 = arith.constant 112 : index
        %swap3A_96 = tpu.vector_load %arg8[%swap3A_95] {strides = array<i32>} : memref<128xi32, #tpu.memory_space<vmem>>, vector<16xi32>,
        %swap3A_97 = vector.shape_cast %swap3A_96 : vector<16xi32> to vector<16xi32>
        %swap3A_98 = vector.shape_cast %add3A_94 : vector<16xi32> to vector<16xi32>
        tpu.vector_store %arg8[%swap3A_95], %swap3A_98 {strides = array<i32>} : memref<128xi32, #tpu.memory_space<vmem>>, vector<16xi32>,
        %dma_wait3A_99 = tpu.memref_slice %arg3[%mul3A_32] : memref<320000xi32, #tpu.memory_space<hbm>> -> memref<128xi32, #tpu.memory_space<hbm>>
        %dma_wait3A_100 = tpu.memref_slice %arg3[%mul3A_32] : memref<320000xi32, #tpu.memory_space<hbm>> -> memref<128xi32, #tpu.memory_space<hbm>>
        tpu.wait_dma2 semaphore(%arg14 : memref<!tpu.dma_semaphore, #tpu.memory_space<semaphore_mem>>) src(%dma_wait3A_100 : memref<128xi32, #tpu.memory_space<hbm>>) dst(%arg9 : memref<128xi32, #tpu.memory_space<vmem>>)
        %dma_start3A_101 = arith.constant 0 : i32
        %dma_start3A_102 = arith.constant 0 : i32
        %dma_start3A_103 = tpu.memref_slice %arg4[%dma_start3A_101, %dma_start3A_102] : memref<20000x128xf32, #tpu.memory_space<hbm>> -> memref<20000x128xf32, #tpu.memory_space<hbm>>
        tpu.enqueue_indirect_dma source(%dma_start3A_103 : memref<20000x128xf32, #tpu.memory_space<hbm>>) target(%arg10 : memref<128x128xf32, #tpu.memory_space<vmem>>) offsets(%arg8 : memref<128xi32, #tpu.memory_space<vmem>>) semaphore(%arg12 : memref<!tpu.dma_semaphore, #tpu.memory_space<semaphore_mem>>)
        %dma_wait3A_104 = arith.constant 0 : i32
        %dma_wait3A_105 = arith.constant 0 : i32
        %dma_wait3A_106 = tpu.memref_slice %arg4[%dma_wait3A_104, %dma_wait3A_105] : memref<20000x128xf32, #tpu.memory_space<hbm>> -> memref<20000x128xf32, #tpu.memory_space<hbm>>
        tpu.wait_indirect_dma semaphore(%arg12 : memref<!tpu.dma_semaphore, #tpu.memory_space<semaphore_mem>>) src(%dma_wait3A_106 : memref<20000x128xf32, #tpu.memory_space<hbm>>) dst(%arg10 : memref<128x128xf32, #tpu.memory_space<vmem>>)
        "tpu.region"() ({
          %run_scoped3A = tpu.sem_alloc : memref<!tpu.dma_semaphore, #tpu.memory_space<semaphore_mem>>
          %dma_start3A_107 = arith.constant 0 : i32
          %dma_start3A_108 = arith.constant 0 : i32
          %dma_start3A_109 = tpu.memref_slice %arg11[%dma_start3A_107, %dma_start3A_108] : memref<10000x128xf32, #tpu.memory_space<vmem_shared>> -> memref<10000x128xf32, #tpu.memory_space<vmem_shared>>
          tpu.enqueue_indirect_dma source(%arg10 : memref<128x128xf32, #tpu.memory_space<vmem>>) target(%dma_start3A_109 : memref<10000x128xf32, #tpu.memory_space<vmem_shared>>) offsets(%arg9 : memref<128xi32, #tpu.memory_space<vmem>>) semaphore(%run_scoped3A : memref<!tpu.dma_semaphore, #tpu.memory_space<semaphore_mem>>) {add = true}
          %dma_wait3A_110 = arith.constant 0 : i32
          %dma_wait3A_111 = arith.constant 0 : i32
          %dma_wait3A_112 = tpu.memref_slice %arg11[%dma_wait3A_110, %dma_wait3A_111] : memref<10000x128xf32, #tpu.memory_space<vmem_shared>> -> memref<10000x128xf32, #tpu.memory_space<vmem_shared>>
          tpu.wait_indirect_dma semaphore(%run_scoped3A : memref<!tpu.dma_semaphore, #tpu.memory_space<semaphore_mem>>) src(%arg10 : memref<128x128xf32, #tpu.memory_space<vmem>>) dst(%dma_wait3A_112 : memref<10000x128xf32, #tpu.memory_space<vmem_shared>>)
          tpu.yield
        }) : () -> ()
      } else {
      }
    }
    %scan3A_11 = arith.constant 157 : i32
    %barrier3A_12 = arith.constant 0 : index
    tpu.barrier barrier_id(%barrier3A_12)
    %lt3A_13 = arith.constant 15 : i32
    %lt3A_14 = arith.cmpi slt, %arg1, %lt3A_13 : i32
    %convert_element_type3A_15 = arith.extui %lt3A_14 : i1 to i32
    %cond3A_16 = arith.constant 0 : i32
    %cond3A_17 = arith.cmpi ne, %convert_element_type3A_15, %cond3A_16 : i32
    scf.if %cond3A_17 {
      %mul3A_23 = arith.constant 624 : i32
      %mul3A_24 = arith.muli %arg1, %mul3A_23 : i32
      "tpu.region"() ({
        %run_scoped3A = tpu.sem_alloc : memref<!tpu.dma_semaphore, #tpu.memory_space<semaphore_mem>>
        %dma_start3A = arith.constant 0 : i32
        %dma_start3A_25 = tpu.memref_slice %arg6[%arg0, %mul3A_24, %dma_start3A] : memref<2x10000x128xf32, #tpu.memory_space<hbm>> -> memref<1x624x128xf32, #tpu.memory_space<hbm>>
        %dma_start3A_26 = tpu.memref_squeeze %dma_start3A_25 : memref<1x624x128xf32, #tpu.memory_space<hbm>> -> memref<624x128xf32, #tpu.memory_space<hbm>>
        %dma_start3A_27 = arith.constant 0 : i32
        %dma_start3A_28 = tpu.memref_slice %arg11[%mul3A_24, %dma_start3A_27] : memref<10000x128xf32, #tpu.memory_space<vmem_shared>> -> memref<624x128xf32, #tpu.memory_space<vmem_shared>>
        tpu.enqueue_dma source(%dma_start3A_28 : memref<624x128xf32, #tpu.memory_space<vmem_shared>>) target(%dma_start3A_26 : memref<624x128xf32, #tpu.memory_space<hbm>>) target_semaphore(%run_scoped3A : memref<!tpu.dma_semaphore, #tpu.memory_space<semaphore_mem>>)
        %dma_wait3A = arith.constant 0 : i32
        %dma_wait3A_29 = tpu.memref_slice %arg6[%arg0, %mul3A_24, %dma_wait3A] : memref<2x10000x128xf32, #tpu.memory_space<hbm>> -> memref<1x624x128xf32, #tpu.memory_space<hbm>>
        %dma_wait3A_30 = tpu.memref_squeeze %dma_wait3A_29 : memref<1x624x128xf32, #tpu.memory_space<hbm>> -> memref<624x128xf32, #tpu.memory_space<hbm>>
        %dma_wait3A_31 = arith.constant 0 : i32
        %dma_wait3A_32 = tpu.memref_slice %arg11[%mul3A_24, %dma_wait3A_31] : memref<10000x128xf32, #tpu.memory_space<vmem_shared>> -> memref<624x128xf32, #tpu.memory_space<vmem_shared>>
        tpu.wait_dma2 semaphore(%run_scoped3A : memref<!tpu.dma_semaphore, #tpu.memory_space<semaphore_mem>>) src(%dma_wait3A_32 : memref<624x128xf32, #tpu.memory_space<vmem_shared>>) dst(%dma_wait3A_30 : memref<624x128xf32, #tpu.memory_space<hbm>>)
        tpu.yield
      }) : () -> ()
    } else {
    }
    %eq3A_18 = arith.constant 15 : i32
    %eq3A_19 = arith.cmpi eq, %arg1, %eq3A_18 : i32
    %convert_element_type3A_20 = arith.extui %eq3A_19 : i1 to i32
    %cond3A_21 = arith.constant 0 : i32
    %cond3A_22 = arith.cmpi ne, %convert_element_type3A_20, %cond3A_21 : i32
    scf.if %cond3A_22 {
      "tpu.region"() ({
        %run_scoped3A = tpu.sem_alloc : memref<!tpu.dma_semaphore, #tpu.memory_space<semaphore_mem>>
        %dma_start3A = arith.constant 9360 : i32
        %dma_start3A_23 = arith.constant 0 : i32
        %dma_start3A_24 = tpu.memref_slice %arg6[%arg0, %dma_start3A, %dma_start3A_23] : memref<2x10000x128xf32, #tpu.memory_space<hbm>> -> memref<1x640x128xf32, #tpu.memory_space<hbm>>
        %dma_start3A_25 = tpu.memref_squeeze %dma_start3A_24 : memref<1x640x128xf32, #tpu.memory_space<hbm>> -> memref<640x128xf32, #tpu.memory_space<hbm>>
        %dma_start3A_26 = arith.constant 9360 : i32
        %dma_start3A_27 = arith.constant 0 : i32
        %dma_start3A_28 = tpu.memref_slice %arg11[%dma_start3A_26, %dma_start3A_27] : memref<10000x128xf32, #tpu.memory_space<vmem_shared>> -> memref<640x128xf32, #tpu.memory_space<vmem_shared>>
        tpu.enqueue_dma source(%dma_start3A_28 : memref<640x128xf32, #tpu.memory_space<vmem_shared>>) target(%dma_start3A_25 : memref<640x128xf32, #tpu.memory_space<hbm>>) target_semaphore(%run_scoped3A : memref<!tpu.dma_semaphore, #tpu.memory_space<semaphore_mem>>)
        %dma_wait3A = arith.constant 9360 : i32
        %dma_wait3A_29 = arith.constant 0 : i32
        %dma_wait3A_30 = tpu.memref_slice %arg6[%arg0, %dma_wait3A, %dma_wait3A_29] : memref<2x10000x128xf32, #tpu.memory_space<hbm>> -> memref<1x640x128xf32, #tpu.memory_space<hbm>>
        %dma_wait3A_31 = tpu.memref_squeeze %dma_wait3A_30 : memref<1x640x128xf32, #tpu.memory_space<hbm>> -> memref<640x128xf32, #tpu.memory_space<hbm>>
        %dma_wait3A_32 = arith.constant 9360 : i32
        %dma_wait3A_33 = arith.constant 0 : i32
        %dma_wait3A_34 = tpu.memref_slice %arg11[%dma_wait3A_32, %dma_wait3A_33] : memref<10000x128xf32, #tpu.memory_space<vmem_shared>> -> memref<640x128xf32, #tpu.memory_space<vmem_shared>>
        tpu.wait_dma2 semaphore(%run_scoped3A : memref<!tpu.dma_semaphore, #tpu.memory_space<semaphore_mem>>) src(%dma_wait3A_34 : memref<640x128xf32, #tpu.memory_space<vmem_shared>>) dst(%dma_wait3A_31 : memref<640x128xf32, #tpu.memory_space<hbm>>)
        tpu.yield
      }) : () -> ()
    } else {
    }
    return
  }
}

#map = affine_map<(d0, d1) -> (0)>
#map1 = affine_map<(d0, d1) -> (0, 0)>
#map2 = affine_map<(d0, d1) -> (0, 0, 0)>
module attributes {stable_mosaic.version = 14 : i64} {
  func.func @_sc_prop2_body(%arg0: i32, %arg1: i32, %arg2: memref<320000xi32, #tpu.memory_space<hbm>>, %arg3: memref<320000xi32, #tpu.memory_space<hbm>>, %arg4: memref<10000x128xf32, #tpu.memory_space<hbm>>, %arg5: memref<10000x128xf32, #tpu.memory_space<hbm>>, %arg6: memref<2x10000x128xf32, #tpu.memory_space<hbm>>, %arg7: memref<128xi32, #tpu.memory_space<vmem>>, %arg8: memref<128xi32, #tpu.memory_space<vmem>>, %arg9: memref<128x128xf32, #tpu.memory_space<vmem>>, %arg10: memref<10000x128xf32, #tpu.memory_space<vmem_shared>>, %arg11: memref<!tpu.dma_semaphore, #tpu.memory_space<semaphore_mem>>, %arg12: memref<!tpu.dma_semaphore, #tpu.memory_space<semaphore_mem>>, %arg13: memref<!tpu.dma_semaphore, #tpu.memory_space<semaphore_mem>>) attributes {dimension_semantics = [#tpu.dimension_semantics<core_parallel>, #tpu.dimension_semantics<subcore_parallel>], iteration_bounds = array<i64: 2, 16>, scalar_prefetch = 0 : i64, scratch_operands = 7 : i64, tpu.core_type = #tpu.core_type<sc_vector_subcore>, window_params = [{transform_indices = #map}, {transform_indices = #map}, {transform_indices = #map1}, {transform_indices = #map1}, {transform_indices = #map2}]} {
    %lt3A = arith.constant 15 : i32
    %lt3A_0 = arith.cmpi slt, %arg1, %lt3A : i32
    %convert_element_type3A = arith.extui %lt3A_0 : i1 to i32
    %cond3A = arith.constant 0 : i32
    %cond3A_1 = arith.cmpi ne, %convert_element_type3A, %cond3A : i32
    scf.if %cond3A_1 {
      %mul3A_23 = arith.constant 624 : i32
      %mul3A_24 = arith.muli %arg1, %mul3A_23 : i32
      "tpu.region"() ({
        %run_scoped3A = tpu.sem_alloc : memref<!tpu.dma_semaphore, #tpu.memory_space<semaphore_mem>>
        %dma_start3A = arith.constant 0 : i32
        %dma_start3A_25 = tpu.memref_slice %arg10[%mul3A_24, %dma_start3A] : memref<10000x128xf32, #tpu.memory_space<vmem_shared>> -> memref<624x128xf32, #tpu.memory_space<vmem_shared>>
        %dma_start3A_26 = arith.constant 0 : i32
        %dma_start3A_27 = tpu.memref_slice %arg5[%mul3A_24, %dma_start3A_26] : memref<10000x128xf32, #tpu.memory_space<hbm>> -> memref<624x128xf32, #tpu.memory_space<hbm>>
        tpu.enqueue_dma source(%dma_start3A_27 : memref<624x128xf32, #tpu.memory_space<hbm>>) target(%dma_start3A_25 : memref<624x128xf32, #tpu.memory_space<vmem_shared>>) target_semaphore(%run_scoped3A : memref<!tpu.dma_semaphore, #tpu.memory_space<semaphore_mem>>)
        %dma_wait3A = arith.constant 0 : i32
        %dma_wait3A_28 = tpu.memref_slice %arg10[%mul3A_24, %dma_wait3A] : memref<10000x128xf32, #tpu.memory_space<vmem_shared>> -> memref<624x128xf32, #tpu.memory_space<vmem_shared>>
        %dma_wait3A_29 = arith.constant 0 : i32
        %dma_wait3A_30 = tpu.memref_slice %arg5[%mul3A_24, %dma_wait3A_29] : memref<10000x128xf32, #tpu.memory_space<hbm>> -> memref<624x128xf32, #tpu.memory_space<hbm>>
        tpu.wait_dma2 semaphore(%run_scoped3A : memref<!tpu.dma_semaphore, #tpu.memory_space<semaphore_mem>>) src(%dma_wait3A_30 : memref<624x128xf32, #tpu.memory_space<hbm>>) dst(%dma_wait3A_28 : memref<624x128xf32, #tpu.memory_space<vmem_shared>>)
        tpu.yield
      }) : () -> ()
    } else {
    }
    %eq3A = arith.constant 15 : i32
    %eq3A_2 = arith.cmpi eq, %arg1, %eq3A : i32
    %convert_element_type3A_3 = arith.extui %eq3A_2 : i1 to i32
    %cond3A_4 = arith.constant 0 : i32
    %cond3A_5 = arith.cmpi ne, %convert_element_type3A_3, %cond3A_4 : i32
    scf.if %cond3A_5 {
      "tpu.region"() ({
        %run_scoped3A = tpu.sem_alloc : memref<!tpu.dma_semaphore, #tpu.memory_space<semaphore_mem>>
        %dma_start3A = arith.constant 9360 : i32
        %dma_start3A_23 = arith.constant 0 : i32
        %dma_start3A_24 = tpu.memref_slice %arg10[%dma_start3A, %dma_start3A_23] : memref<10000x128xf32, #tpu.memory_space<vmem_shared>> -> memref<640x128xf32, #tpu.memory_space<vmem_shared>>
        %dma_start3A_25 = arith.constant 9360 : i32
        %dma_start3A_26 = arith.constant 0 : i32
        %dma_start3A_27 = tpu.memref_slice %arg5[%dma_start3A_25, %dma_start3A_26] : memref<10000x128xf32, #tpu.memory_space<hbm>> -> memref<640x128xf32, #tpu.memory_space<hbm>>
        tpu.enqueue_dma source(%dma_start3A_27 : memref<640x128xf32, #tpu.memory_space<hbm>>) target(%dma_start3A_24 : memref<640x128xf32, #tpu.memory_space<vmem_shared>>) target_semaphore(%run_scoped3A : memref<!tpu.dma_semaphore, #tpu.memory_space<semaphore_mem>>)
        %dma_wait3A = arith.constant 9360 : i32
        %dma_wait3A_28 = arith.constant 0 : i32
        %dma_wait3A_29 = tpu.memref_slice %arg10[%dma_wait3A, %dma_wait3A_28] : memref<10000x128xf32, #tpu.memory_space<vmem_shared>> -> memref<640x128xf32, #tpu.memory_space<vmem_shared>>
        %dma_wait3A_30 = arith.constant 9360 : i32
        %dma_wait3A_31 = arith.constant 0 : i32
        %dma_wait3A_32 = tpu.memref_slice %arg5[%dma_wait3A_30, %dma_wait3A_31] : memref<10000x128xf32, #tpu.memory_space<hbm>> -> memref<640x128xf32, #tpu.memory_space<hbm>>
        tpu.wait_dma2 semaphore(%run_scoped3A : memref<!tpu.dma_semaphore, #tpu.memory_space<semaphore_mem>>) src(%dma_wait3A_32 : memref<640x128xf32, #tpu.memory_space<hbm>>) dst(%dma_wait3A_29 : memref<640x128xf32, #tpu.memory_space<vmem_shared>>)
        tpu.yield
      }) : () -> ()
    } else {
    }
    %barrier3A = arith.constant 0 : index
    tpu.barrier barrier_id(%barrier3A)
    %mul3A = arith.constant 160000 : i32
    %mul3A_6 = arith.muli %arg0, %mul3A : i32
    %scan3A = arith.constant 0 : i32
    %scan3A_7 = arith.constant 0 : i32
    %scan3A_8 = arith.constant 79 : i32
    %scan3A_9 = arith.addi %scan3A_7, %scan3A_8 : i32
    %scan3A_10 = arith.constant 1 : i32
    scf.for %scan3A_23 = %scan3A_7 to %scan3A_9 step %scan3A_10  : i32 {
      %mul3A_24 = arith.constant 16 : i32
      %mul3A_25 = arith.muli %scan3A_23, %mul3A_24 : i32
      %add3A = arith.addi %mul3A_25, %arg1 : i32
      %lt3A_26 = arith.constant 1250 : i32
      %lt3A_27 = arith.cmpi slt, %add3A, %lt3A_26 : i32
      %convert_element_type3A_28 = arith.extui %lt3A_27 : i1 to i32
      %cond3A_29 = arith.constant 0 : i32
      %cond3A_30 = arith.cmpi ne, %convert_element_type3A_28, %cond3A_29 : i32
      scf.if %cond3A_30 {
        %mul3A_31 = arith.constant 128 : i32
        %mul3A_32 = arith.muli %add3A, %mul3A_31 : i32
        %add3A_33 = arith.addi %mul3A_6, %mul3A_32 : i32
        %dma_start3A = tpu.memref_slice %arg2[%add3A_33] : memref<320000xi32, #tpu.memory_space<hbm>> -> memref<128xi32, #tpu.memory_space<hbm>>
        %dma_start3A_34 = tpu.memref_slice %arg2[%add3A_33] : memref<320000xi32, #tpu.memory_space<hbm>> -> memref<128xi32, #tpu.memory_space<hbm>>
        tpu.enqueue_dma source(%dma_start3A_34 : memref<128xi32, #tpu.memory_space<hbm>>) target(%arg7 : memref<128xi32, #tpu.memory_space<vmem>>) target_semaphore(%arg12 : memref<!tpu.dma_semaphore, #tpu.memory_space<semaphore_mem>>)
        %dma_start3A_35 = tpu.memref_slice %arg3[%add3A_33] : memref<320000xi32, #tpu.memory_space<hbm>> -> memref<128xi32, #tpu.memory_space<hbm>>
        %dma_start3A_36 = tpu.memref_slice %arg3[%add3A_33] : memref<320000xi32, #tpu.memory_space<hbm>> -> memref<128xi32, #tpu.memory_space<hbm>>
        tpu.enqueue_dma source(%dma_start3A_36 : memref<128xi32, #tpu.memory_space<hbm>>) target(%arg8 : memref<128xi32, #tpu.memory_space<vmem>>) target_semaphore(%arg13 : memref<!tpu.dma_semaphore, #tpu.memory_space<semaphore_mem>>)
        %dma_wait3A = tpu.memref_slice %arg2[%add3A_33] : memref<320000xi32, #tpu.memory_space<hbm>> -> memref<128xi32, #tpu.memory_space<hbm>>
        %dma_wait3A_37 = tpu.memref_slice %arg2[%add3A_33] : memref<320000xi32, #tpu.memory_space<hbm>> -> memref<128xi32, #tpu.memory_space<hbm>>
        tpu.wait_dma2 semaphore(%arg12 : memref<!tpu.dma_semaphore, #tpu.memory_space<semaphore_mem>>) src(%dma_wait3A_37 : memref<128xi32, #tpu.memory_space<hbm>>) dst(%arg7 : memref<128xi32, #tpu.memory_space<vmem>>)
        %dma_wait3A_38 = tpu.memref_slice %arg3[%add3A_33] : memref<320000xi32, #tpu.memory_space<hbm>> -> memref<128xi32, #tpu.memory_space<hbm>>
        %dma_wait3A_39 = tpu.memref_slice %arg3[%add3A_33] : memref<320000xi32, #tpu.memory_space<hbm>> -> memref<128xi32, #tpu.memory_space<hbm>>
        tpu.wait_dma2 semaphore(%arg13 : memref<!tpu.dma_semaphore, #tpu.memory_space<semaphore_mem>>) src(%dma_wait3A_39 : memref<128xi32, #tpu.memory_space<hbm>>) dst(%arg8 : memref<128xi32, #tpu.memory_space<vmem>>)
        %dma_start3A_40 = arith.constant 0 : i32
        %dma_start3A_41 = arith.constant 0 : i32
        %dma_start3A_42 = tpu.memref_slice %arg4[%dma_start3A_40, %dma_start3A_41] : memref<10000x128xf32, #tpu.memory_space<hbm>> -> memref<10000x128xf32, #tpu.memory_space<hbm>>
        tpu.enqueue_indirect_dma source(%dma_start3A_42 : memref<10000x128xf32, #tpu.memory_space<hbm>>) target(%arg9 : memref<128x128xf32, #tpu.memory_space<vmem>>) offsets(%arg7 : memref<128xi32, #tpu.memory_space<vmem>>) semaphore(%arg11 : memref<!tpu.dma_semaphore, #tpu.memory_space<semaphore_mem>>)
        %dma_wait3A_43 = arith.constant 0 : i32
        %dma_wait3A_44 = arith.constant 0 : i32
        %dma_wait3A_45 = tpu.memref_slice %arg4[%dma_wait3A_43, %dma_wait3A_44] : memref<10000x128xf32, #tpu.memory_space<hbm>> -> memref<10000x128xf32, #tpu.memory_space<hbm>>
        tpu.wait_indirect_dma semaphore(%arg11 : memref<!tpu.dma_semaphore, #tpu.memory_space<semaphore_mem>>) src(%dma_wait3A_45 : memref<10000x128xf32, #tpu.memory_space<hbm>>) dst(%arg9 : memref<128x128xf32, #tpu.memory_space<vmem>>)
        "tpu.region"() ({
          %run_scoped3A = tpu.sem_alloc : memref<!tpu.dma_semaphore, #tpu.memory_space<semaphore_mem>>
          %dma_start3A_46 = arith.constant 0 : i32
          %dma_start3A_47 = arith.constant 0 : i32
          %dma_start3A_48 = tpu.memref_slice %arg10[%dma_start3A_46, %dma_start3A_47] : memref<10000x128xf32, #tpu.memory_space<vmem_shared>> -> memref<10000x128xf32, #tpu.memory_space<vmem_shared>>
          tpu.enqueue_indirect_dma source(%arg9 : memref<128x128xf32, #tpu.memory_space<vmem>>) target(%dma_start3A_48 : memref<10000x128xf32, #tpu.memory_space<vmem_shared>>) offsets(%arg8 : memref<128xi32, #tpu.memory_space<vmem>>) semaphore(%run_scoped3A : memref<!tpu.dma_semaphore, #tpu.memory_space<semaphore_mem>>) {add = true}
          %dma_wait3A_49 = arith.constant 0 : i32
          %dma_wait3A_50 = arith.constant 0 : i32
          %dma_wait3A_51 = tpu.memref_slice %arg10[%dma_wait3A_49, %dma_wait3A_50] : memref<10000x128xf32, #tpu.memory_space<vmem_shared>> -> memref<10000x128xf32, #tpu.memory_space<vmem_shared>>
          tpu.wait_indirect_dma semaphore(%run_scoped3A : memref<!tpu.dma_semaphore, #tpu.memory_space<semaphore_mem>>) src(%arg9 : memref<128x128xf32, #tpu.memory_space<vmem>>) dst(%dma_wait3A_51 : memref<10000x128xf32, #tpu.memory_space<vmem_shared>>)
          tpu.yield
        }) : () -> ()
      } else {
      }
    }
    %scan3A_11 = arith.constant 79 : i32
    %barrier3A_12 = arith.constant 0 : index
    tpu.barrier barrier_id(%barrier3A_12)
    %lt3A_13 = arith.constant 15 : i32
    %lt3A_14 = arith.cmpi slt, %arg1, %lt3A_13 : i32
    %convert_element_type3A_15 = arith.extui %lt3A_14 : i1 to i32
    %cond3A_16 = arith.constant 0 : i32
    %cond3A_17 = arith.cmpi ne, %convert_element_type3A_15, %cond3A_16 : i32
    scf.if %cond3A_17 {
      %mul3A_23 = arith.constant 624 : i32
      %mul3A_24 = arith.muli %arg1, %mul3A_23 : i32
      "tpu.region"() ({
        %run_scoped3A = tpu.sem_alloc : memref<!tpu.dma_semaphore, #tpu.memory_space<semaphore_mem>>
        %dma_start3A = arith.constant 0 : i32
        %dma_start3A_25 = tpu.memref_slice %arg6[%arg0, %mul3A_24, %dma_start3A] : memref<2x10000x128xf32, #tpu.memory_space<hbm>> -> memref<1x624x128xf32, #tpu.memory_space<hbm>>
        %dma_start3A_26 = tpu.memref_squeeze %dma_start3A_25 : memref<1x624x128xf32, #tpu.memory_space<hbm>> -> memref<624x128xf32, #tpu.memory_space<hbm>>
        %dma_start3A_27 = arith.constant 0 : i32
        %dma_start3A_28 = tpu.memref_slice %arg10[%mul3A_24, %dma_start3A_27] : memref<10000x128xf32, #tpu.memory_space<vmem_shared>> -> memref<624x128xf32, #tpu.memory_space<vmem_shared>>
        tpu.enqueue_dma source(%dma_start3A_28 : memref<624x128xf32, #tpu.memory_space<vmem_shared>>) target(%dma_start3A_26 : memref<624x128xf32, #tpu.memory_space<hbm>>) target_semaphore(%run_scoped3A : memref<!tpu.dma_semaphore, #tpu.memory_space<semaphore_mem>>)
        %dma_wait3A = arith.constant 0 : i32
        %dma_wait3A_29 = tpu.memref_slice %arg6[%arg0, %mul3A_24, %dma_wait3A] : memref<2x10000x128xf32, #tpu.memory_space<hbm>> -> memref<1x624x128xf32, #tpu.memory_space<hbm>>
        %dma_wait3A_30 = tpu.memref_squeeze %dma_wait3A_29 : memref<1x624x128xf32, #tpu.memory_space<hbm>> -> memref<624x128xf32, #tpu.memory_space<hbm>>
        %dma_wait3A_31 = arith.constant 0 : i32
        %dma_wait3A_32 = tpu.memref_slice %arg10[%mul3A_24, %dma_wait3A_31] : memref<10000x128xf32, #tpu.memory_space<vmem_shared>> -> memref<624x128xf32, #tpu.memory_space<vmem_shared>>
        tpu.wait_dma2 semaphore(%run_scoped3A : memref<!tpu.dma_semaphore, #tpu.memory_space<semaphore_mem>>) src(%dma_wait3A_32 : memref<624x128xf32, #tpu.memory_space<vmem_shared>>) dst(%dma_wait3A_30 : memref<624x128xf32, #tpu.memory_space<hbm>>)
        tpu.yield
      }) : () -> ()
    } else {
    }
    %eq3A_18 = arith.constant 15 : i32
    %eq3A_19 = arith.cmpi eq, %arg1, %eq3A_18 : i32
    %convert_element_type3A_20 = arith.extui %eq3A_19 : i1 to i32
    %cond3A_21 = arith.constant 0 : i32
    %cond3A_22 = arith.cmpi ne, %convert_element_type3A_20, %cond3A_21 : i32
    scf.if %cond3A_22 {
      "tpu.region"() ({
        %run_scoped3A = tpu.sem_alloc : memref<!tpu.dma_semaphore, #tpu.memory_space<semaphore_mem>>
        %dma_start3A = arith.constant 9360 : i32
        %dma_start3A_23 = arith.constant 0 : i32
        %dma_start3A_24 = tpu.memref_slice %arg6[%arg0, %dma_start3A, %dma_start3A_23] : memref<2x10000x128xf32, #tpu.memory_space<hbm>> -> memref<1x640x128xf32, #tpu.memory_space<hbm>>
        %dma_start3A_25 = tpu.memref_squeeze %dma_start3A_24 : memref<1x640x128xf32, #tpu.memory_space<hbm>> -> memref<640x128xf32, #tpu.memory_space<hbm>>
        %dma_start3A_26 = arith.constant 9360 : i32
        %dma_start3A_27 = arith.constant 0 : i32
        %dma_start3A_28 = tpu.memref_slice %arg10[%dma_start3A_26, %dma_start3A_27] : memref<10000x128xf32, #tpu.memory_space<vmem_shared>> -> memref<640x128xf32, #tpu.memory_space<vmem_shared>>
        tpu.enqueue_dma source(%dma_start3A_28 : memref<640x128xf32, #tpu.memory_space<vmem_shared>>) target(%dma_start3A_25 : memref<640x128xf32, #tpu.memory_space<hbm>>) target_semaphore(%run_scoped3A : memref<!tpu.dma_semaphore, #tpu.memory_space<semaphore_mem>>)
        %dma_wait3A = arith.constant 9360 : i32
        %dma_wait3A_29 = arith.constant 0 : i32
        %dma_wait3A_30 = tpu.memref_slice %arg6[%arg0, %dma_wait3A, %dma_wait3A_29] : memref<2x10000x128xf32, #tpu.memory_space<hbm>> -> memref<1x640x128xf32, #tpu.memory_space<hbm>>
        %dma_wait3A_31 = tpu.memref_squeeze %dma_wait3A_30 : memref<1x640x128xf32, #tpu.memory_space<hbm>> -> memref<640x128xf32, #tpu.memory_space<hbm>>
        %dma_wait3A_32 = arith.constant 9360 : i32
        %dma_wait3A_33 = arith.constant 0 : i32
        %dma_wait3A_34 = tpu.memref_slice %arg10[%dma_wait3A_32, %dma_wait3A_33] : memref<10000x128xf32, #tpu.memory_space<vmem_shared>> -> memref<640x128xf32, #tpu.memory_space<vmem_shared>>
        tpu.wait_dma2 semaphore(%run_scoped3A : memref<!tpu.dma_semaphore, #tpu.memory_space<semaphore_mem>>) src(%dma_wait3A_34 : memref<640x128xf32, #tpu.memory_space<vmem_shared>>) dst(%dma_wait3A_31 : memref<640x128xf32, #tpu.memory_space<hbm>>)
        tpu.yield
      }) : () -> ()
    } else {
    }
    return
  }
}

module attributes {stable_mosaic.version = 14 : i64} {
  func.func @_tc_dense1_body(%arg0: i32, %arg1: memref<1000x128xf32, #tpu.memory_space<vmem>>, %arg2: memref<128x256xf32, #tpu.memory_space<vmem>>, %arg3: memref<2x1000x128xf32, #tpu.memory_space<vmem>>, %arg4: memref<2x1000x128xf32, #tpu.memory_space<vmem>>, %arg5: memref<1000x1xf32, #tpu.memory_space<vmem>>) attributes {dimension_semantics = [#tpu.dimension_semantics<arbitrary>], iteration_bounds = array<i64: 10>, scalar_prefetch = 0 : i64, scratch_operands = 0 : i64, tpu.core_type = #tpu.core_type<tc>, window_params = [{transform_indices = @transform_0, window_bounds = array<i64: 1000, 128>}, {pipeline_mode = #tpu.pipeline_mode<synchronous>, transform_indices = @transform_1, window_bounds = array<i64: 128, 256>}, {transform_indices = @transform_2, window_bounds = array<i64: 2, 1000, 128>}, {transform_indices = @transform_3, window_bounds = array<i64: 2, 1000, 128>}, {transform_indices = @transform_4, window_bounds = array<i64: 1000, 1>}]} {
    %get3A = arith.constant 0 : index
    %get3A_0 = arith.constant 0 : index
    %get3A_1 = arith.constant 0 : index
    %get3A_2 = vector.load %arg3[%get3A, %get3A_0, %get3A_1] : memref<2x1000x128xf32, #tpu.memory_space<vmem>>, vector<2x1000x128xf32>
    %reduce_sum3A = arith.constant dense<0.000000e+00> : vector<1000xf32>
    %reduce_sum3A_3 = vector.multi_reduction <add>, %get3A_2, %reduce_sum3A [0, 2] : vector<2x1000x128xf32> to vector<1000xf32>
    %mul3A = arith.constant 7.812500e-03 : f32
    %mul3A_4 = vector.broadcast %mul3A : f32 to vector<1000xf32>
    %mul3A_5 = arith.mulf %reduce_sum3A_3, %mul3A_4 : vector<1000xf32>
    %add3A = arith.constant 1.000000e+00 : f32
    %add3A_6 = vector.broadcast %add3A : f32 to vector<1000xf32>
    %add3A_7 = arith.addf %add3A_6, %mul3A_5 : vector<1000xf32>
    %rsqrt3A = math.rsqrt %add3A_7 : vector<1000xf32>
    %get3A_8 = arith.constant 0 : index
    %get3A_9 = arith.constant 0 : index
    %get3A_10 = vector.load %arg1[%get3A_8, %get3A_9] : memref<1000x128xf32, #tpu.memory_space<vmem>>, vector<1000x128xf32>
    %get3A_11 = arith.constant 0 : index
    %get3A_12 = arith.constant 0 : index
    %get3A_13 = vector.load %arg2[%get3A_11, %get3A_12] : memref<128x256xf32, #tpu.memory_space<vmem>>, vector<128x256xf32>
    %dot_general3A = arith.constant dense<0.000000e+00> : vector<1000x256xf32>
    %dot_general3A_14 = tpu.matmul %get3A_10, %get3A_13, %dot_general3A {dimension_numbers = #tpu.dot_dimension_numbers<[1], [0], [0], [1], [0, 0, 1, 1], [], []>, transpose_lhs_hint = false} : vector<1000x128xf32>, vector<128x256xf32>, vector<1000x256xf32> -> vector<1000x256xf32>
    %broadcast_in_dim3A = vector.shape_cast %rsqrt3A : vector<1000xf32> to vector<1000x1xf32>
    %mul3A_15 = vector.broadcast %broadcast_in_dim3A : vector<1000x1xf32> to vector<1000x256xf32>
    %mul3A_16 = arith.mulf %dot_general3A_14, %mul3A_15 : vector<1000x256xf32>
    %slice3A = vector.extract_strided_slice %mul3A_16 {offsets = [0, 0], sizes = [1000, 128], strides = [1, 1]} : vector<1000x256xf32> to vector<1000x128xf32>
    %swap3A = arith.constant 0 : index
    %swap3A_17 = arith.constant 0 : index
    %swap3A_18 = arith.constant 0 : index
    %swap3A_19 = vector.load %arg4[%swap3A, %swap3A_17, %swap3A_18] : memref<2x1000x128xf32, #tpu.memory_space<vmem>>, vector<1x1000x128xf32>
    %swap3A_20 = vector.shape_cast %swap3A_19 : vector<1x1000x128xf32> to vector<1000x128xf32>
    %swap3A_21 = vector.shape_cast %slice3A : vector<1000x128xf32> to vector<1x1000x128xf32>
    tpu.vector_store %arg4[%swap3A, %swap3A_17, %swap3A_18], %swap3A_21 {strides = array<i32>} : memref<2x1000x128xf32, #tpu.memory_space<vmem>>, vector<1x1000x128xf32>,
    %slice3A_22 = vector.extract_strided_slice %mul3A_16 {offsets = [0, 128], sizes = [1000, 128], strides = [1, 1]} : vector<1000x256xf32> to vector<1000x128xf32>
    %swap3A_23 = arith.constant 1 : index
    %swap3A_24 = arith.constant 0 : index
    %swap3A_25 = arith.constant 0 : index
    %swap3A_26 = vector.load %arg4[%swap3A_23, %swap3A_24, %swap3A_25] : memref<2x1000x128xf32, #tpu.memory_space<vmem>>, vector<1x1000x128xf32>
    %swap3A_27 = vector.shape_cast %swap3A_26 : vector<1x1000x128xf32> to vector<1000x128xf32>
    %swap3A_28 = vector.shape_cast %slice3A_22 : vector<1000x128xf32> to vector<1x1000x128xf32>
    tpu.vector_store %arg4[%swap3A_23, %swap3A_24, %swap3A_25], %swap3A_28 {strides = array<i32>} : memref<2x1000x128xf32, #tpu.memory_space<vmem>>, vector<1x1000x128xf32>,
    %broadcast_in_dim3A_29 = vector.shape_cast %rsqrt3A : vector<1000xf32> to vector<1000x1xf32>
    %swap3A_30 = arith.constant 0 : index
    %swap3A_31 = arith.constant 0 : index
    %swap3A_32 = vector.load %arg5[%swap3A_30, %swap3A_31] : memref<1000x1xf32, #tpu.memory_space<vmem>>, vector<1000x1xf32>
    tpu.vector_store %arg5[%swap3A_30, %swap3A_31], %broadcast_in_dim3A_29 {strides = array<i32>} : memref<1000x1xf32, #tpu.memory_space<vmem>>, vector<1000x1xf32>,
    return
  }
  func.func @transform_0(%arg0: i32) -> (i32, i32) {
    %c0_i32 = arith.constant 0 : i32
    %c0_i32_0 = arith.constant 0 : i32
    return %arg0, %c0_i32 : i32, i32
  }
  func.func @transform_1(%arg0: i32) -> (i32, i32) {
    %c0_i32 = arith.constant 0 : i32
    %c0_i32_0 = arith.constant 0 : i32
    %c0_i32_1 = arith.constant 0 : i32
    return %c0_i32, %c0_i32_0 : i32, i32
  }
  func.func @transform_2(%arg0: i32) -> (i32, i32, i32) {
    %c0_i32 = arith.constant 0 : i32
    %c0_i32_0 = arith.constant 0 : i32
    %c0_i32_1 = arith.constant 0 : i32
    return %c0_i32, %arg0, %c0_i32_0 : i32, i32, i32
  }
  func.func @transform_3(%arg0: i32) -> (i32, i32, i32) {
    %c0_i32 = arith.constant 0 : i32
    %c0_i32_0 = arith.constant 0 : i32
    %c0_i32_1 = arith.constant 0 : i32
    return %c0_i32, %arg0, %c0_i32_0 : i32, i32, i32
  }
  func.func @transform_4(%arg0: i32) -> (i32, i32) {
    %c0_i32 = arith.constant 0 : i32
    %c0_i32_0 = arith.constant 0 : i32
    return %arg0, %c0_i32 : i32, i32
  }
}

module attributes {stable_mosaic.version = 14 : i64} {
  func.func @_tc_dense2_body(%arg0: i32, %arg1: memref<2x1000x128xf32, #tpu.memory_space<vmem>>, %arg2: memref<2x1000x128xf32, #tpu.memory_space<vmem>>, %arg3: memref<1000x1xf32, #tpu.memory_space<vmem>>, %arg4: memref<2x128xf32, #tpu.memory_space<vmem>>, %arg5: memref<2x128x128xf32, #tpu.memory_space<vmem>>, %arg6: memref<1000x128xf32, #tpu.memory_space<vmem>>) attributes {dimension_semantics = [#tpu.dimension_semantics<arbitrary>], iteration_bounds = array<i64: 10>, scalar_prefetch = 0 : i64, scratch_operands = 0 : i64, tpu.core_type = #tpu.core_type<tc>, window_params = [{transform_indices = @transform_0, window_bounds = array<i64: 2, 1000, 128>}, {transform_indices = @transform_1, window_bounds = array<i64: 2, 1000, 128>}, {transform_indices = @transform_2, window_bounds = array<i64: 1000, 1>}, {pipeline_mode = #tpu.pipeline_mode<synchronous>, transform_indices = @transform_3, window_bounds = array<i64: 2, 128>}, {pipeline_mode = #tpu.pipeline_mode<synchronous>, transform_indices = @transform_4, window_bounds = array<i64: 2, 128, 128>}, {transform_indices = @transform_5, window_bounds = array<i64: 1000, 128>}]} {
    %get3A = arith.constant 0 : index
    %get3A_0 = arith.constant 0 : index
    %get3A_1 = vector.load %arg3[%get3A, %get3A_0] : memref<1000x1xf32, #tpu.memory_space<vmem>>, vector<1000x1xf32>
    %get3A_2 = arith.constant 0 : index
    %get3A_3 = arith.constant 0 : index
    %get3A_4 = arith.constant 0 : index
    %get3A_5 = vector.load %arg1[%get3A_2, %get3A_3, %get3A_4] : memref<2x1000x128xf32, #tpu.memory_space<vmem>>, vector<1x1000x128xf32>
    %get3A_6 = vector.shape_cast %get3A_5 : vector<1x1000x128xf32> to vector<1000x128xf32>
    %get3A_7 = arith.constant 0 : index
    %get3A_8 = arith.constant 0 : index
    %get3A_9 = arith.constant 0 : index
    %get3A_10 = vector.load %arg2[%get3A_7, %get3A_8, %get3A_9] : memref<2x1000x128xf32, #tpu.memory_space<vmem>>, vector<1x1000x128xf32>
    %get3A_11 = vector.shape_cast %get3A_10 : vector<1x1000x128xf32> to vector<1000x128xf32>
    %add3A = arith.addf %get3A_6, %get3A_11 : vector<1000x128xf32>
    %mul3A = vector.broadcast %get3A_1 : vector<1000x1xf32> to vector<1000x128xf32>
    %mul3A_12 = arith.mulf %mul3A, %add3A : vector<1000x128xf32>
    %get3A_13 = arith.constant 0 : index
    %get3A_14 = arith.constant 0 : index
    %get3A_15 = vector.load %arg4[%get3A_13, %get3A_14] : memref<2x128xf32, #tpu.memory_space<vmem>>, vector<1x128xf32>
    %get3A_16 = vector.shape_cast %get3A_15 : vector<1x128xf32> to vector<128xf32>
    %broadcast_in_dim3A = vector.shape_cast %get3A_16 : vector<128xf32> to vector<1x128xf32>
    %add3A_17 = vector.broadcast %broadcast_in_dim3A : vector<1x128xf32> to vector<1000x128xf32>
    %add3A_18 = arith.addf %mul3A_12, %add3A_17 : vector<1000x128xf32>
    %max3A = arith.constant 0.000000e+00 : f32
    %max3A_19 = vector.broadcast %max3A : f32 to vector<1000x128xf32>
    %max3A_20 = arith.maximumf %add3A_18, %max3A_19 : vector<1000x128xf32>
    %get3A_21 = arith.constant 1 : index
    %get3A_22 = arith.constant 0 : index
    %get3A_23 = arith.constant 0 : index
    %get3A_24 = vector.load %arg1[%get3A_21, %get3A_22, %get3A_23] : memref<2x1000x128xf32, #tpu.memory_space<vmem>>, vector<1x1000x128xf32>
    %get3A_25 = vector.shape_cast %get3A_24 : vector<1x1000x128xf32> to vector<1000x128xf32>
    %get3A_26 = arith.constant 1 : index
    %get3A_27 = arith.constant 0 : index
    %get3A_28 = arith.constant 0 : index
    %get3A_29 = vector.load %arg2[%get3A_26, %get3A_27, %get3A_28] : memref<2x1000x128xf32, #tpu.memory_space<vmem>>, vector<1x1000x128xf32>
    %get3A_30 = vector.shape_cast %get3A_29 : vector<1x1000x128xf32> to vector<1000x128xf32>
    %add3A_31 = arith.addf %get3A_25, %get3A_30 : vector<1000x128xf32>
    %mul3A_32 = vector.broadcast %get3A_1 : vector<1000x1xf32> to vector<1000x128xf32>
    %mul3A_33 = arith.mulf %mul3A_32, %add3A_31 : vector<1000x128xf32>
    %get3A_34 = arith.constant 1 : index
    %get3A_35 = arith.constant 0 : index
    %get3A_36 = vector.load %arg4[%get3A_34, %get3A_35] : memref<2x128xf32, #tpu.memory_space<vmem>>, vector<1x128xf32>
    %get3A_37 = vector.shape_cast %get3A_36 : vector<1x128xf32> to vector<128xf32>
    %broadcast_in_dim3A_38 = vector.shape_cast %get3A_37 : vector<128xf32> to vector<1x128xf32>
    %add3A_39 = vector.broadcast %broadcast_in_dim3A_38 : vector<1x128xf32> to vector<1000x128xf32>
    %add3A_40 = arith.addf %mul3A_33, %add3A_39 : vector<1000x128xf32>
    %max3A_41 = arith.constant 0.000000e+00 : f32
    %max3A_42 = vector.broadcast %max3A_41 : f32 to vector<1000x128xf32>
    %max3A_43 = arith.maximumf %add3A_40, %max3A_42 : vector<1000x128xf32>
    %get3A_44 = arith.constant 0 : index
    %get3A_45 = arith.constant 0 : index
    %get3A_46 = arith.constant 0 : index
    %get3A_47 = vector.load %arg5[%get3A_44, %get3A_45, %get3A_46] : memref<2x128x128xf32, #tpu.memory_space<vmem>>, vector<1x128x128xf32>
    %get3A_48 = vector.shape_cast %get3A_47 : vector<1x128x128xf32> to vector<128x128xf32>
    %dot_general3A = arith.constant dense<0.000000e+00> : vector<1000x128xf32>
    %dot_general3A_49 = tpu.matmul %max3A_20, %get3A_48, %dot_general3A {dimension_numbers = #tpu.dot_dimension_numbers<[1], [0], [0], [1], [0, 0, 1, 1], [], []>, transpose_lhs_hint = false} : vector<1000x128xf32>, vector<128x128xf32>, vector<1000x128xf32> -> vector<1000x128xf32>
    %get3A_50 = arith.constant 1 : index
    %get3A_51 = arith.constant 0 : index
    %get3A_52 = arith.constant 0 : index
    %get3A_53 = vector.load %arg5[%get3A_50, %get3A_51, %get3A_52] : memref<2x128x128xf32, #tpu.memory_space<vmem>>, vector<1x128x128xf32>
    %get3A_54 = vector.shape_cast %get3A_53 : vector<1x128x128xf32> to vector<128x128xf32>
    %dot_general3A_55 = arith.constant dense<0.000000e+00> : vector<1000x128xf32>
    %dot_general3A_56 = tpu.matmul %max3A_43, %get3A_54, %dot_general3A_55 {dimension_numbers = #tpu.dot_dimension_numbers<[1], [0], [0], [1], [0, 0, 1, 1], [], []>, transpose_lhs_hint = false} : vector<1000x128xf32>, vector<128x128xf32>, vector<1000x128xf32> -> vector<1000x128xf32>
    %add3A_57 = arith.addf %dot_general3A_49, %dot_general3A_56 : vector<1000x128xf32>
    %mul3A_58 = vector.broadcast %get3A_1 : vector<1000x1xf32> to vector<1000x128xf32>
    %mul3A_59 = arith.mulf %add3A_57, %mul3A_58 : vector<1000x128xf32>
    %swap3A = arith.constant 0 : index
    %swap3A_60 = arith.constant 0 : index
    %swap3A_61 = vector.load %arg6[%swap3A, %swap3A_60] : memref<1000x128xf32, #tpu.memory_space<vmem>>, vector<1000x128xf32>
    tpu.vector_store %arg6[%swap3A, %swap3A_60], %mul3A_59 {strides = array<i32>} : memref<1000x128xf32, #tpu.memory_space<vmem>>, vector<1000x128xf32>,
    return
  }
  func.func @transform_0(%arg0: i32) -> (i32, i32, i32) {
    %c0_i32 = arith.constant 0 : i32
    %c0_i32_0 = arith.constant 0 : i32
    %c0_i32_1 = arith.constant 0 : i32
    return %c0_i32, %arg0, %c0_i32_0 : i32, i32, i32
  }
  func.func @transform_1(%arg0: i32) -> (i32, i32, i32) {
    %c0_i32 = arith.constant 0 : i32
    %c0_i32_0 = arith.constant 0 : i32
    %c0_i32_1 = arith.constant 0 : i32
    return %c0_i32, %arg0, %c0_i32_0 : i32, i32, i32
  }
  func.func @transform_2(%arg0: i32) -> (i32, i32) {
    %c0_i32 = arith.constant 0 : i32
    %c0_i32_0 = arith.constant 0 : i32
    return %arg0, %c0_i32 : i32, i32
  }
  func.func @transform_3(%arg0: i32) -> (i32, i32) {
    %c0_i32 = arith.constant 0 : i32
    %c0_i32_0 = arith.constant 0 : i32
    %c0_i32_1 = arith.constant 0 : i32
    return %c0_i32, %c0_i32_0 : i32, i32
  }
  func.func @transform_4(%arg0: i32) -> (i32, i32, i32) {
    %c0_i32 = arith.constant 0 : i32
    %c0_i32_0 = arith.constant 0 : i32
    %c0_i32_1 = arith.constant 0 : i32
    %c0_i32_2 = arith.constant 0 : i32
    return %c0_i32, %c0_i32_0, %c0_i32_1 : i32, i32, i32
  }
  func.func @transform_5(%arg0: i32) -> (i32, i32) {
    %c0_i32 = arith.constant 0 : i32
    %c0_i32_0 = arith.constant 0 : i32
    return %arg0, %c0_i32 : i32, i32
  }
}

module attributes {stable_mosaic.version = 14 : i64} {
  func.func @_tc_loss_body(%arg0: i32, %arg1: memref<2x1000x128xf32, #tpu.memory_space<vmem>>, %arg2: memref<1000x128xf32, #tpu.memory_space<vmem>>, %arg3: memref<1000x1xf32, #tpu.memory_space<vmem>>, %arg4: memref<1x128xf32, #tpu.memory_space<vmem>>, %arg5: memref<1000x1xi32, #tpu.memory_space<vmem>>, %arg6: memref<1x1xf32, #tpu.memory_space<vmem>>) attributes {dimension_semantics = [#tpu.dimension_semantics<arbitrary>], iteration_bounds = array<i64: 10>, scalar_prefetch = 0 : i64, scratch_operands = 0 : i64, tpu.core_type = #tpu.core_type<tc>, window_params = [{transform_indices = @transform_0, window_bounds = array<i64: 2, 1000, 128>}, {transform_indices = @transform_1, window_bounds = array<i64: 1000, 128>}, {transform_indices = @transform_2, window_bounds = array<i64: 1000, 1>}, {pipeline_mode = #tpu.pipeline_mode<synchronous>, transform_indices = @transform_3, window_bounds = array<i64: 1, 128>}, {transform_indices = @transform_4, window_bounds = array<i64: 1000, 1>}, {pipeline_mode = #tpu.pipeline_mode<synchronous>, transform_indices = @transform_5, window_bounds = array<i64: 1, 1>}]} {
    %get3A = arith.constant 0 : index
    %get3A_0 = arith.constant 0 : index
    %get3A_1 = vector.load %arg3[%get3A, %get3A_0] : memref<1000x1xf32, #tpu.memory_space<vmem>>, vector<1000x1xf32>
    %get3A_2 = arith.constant 0 : index
    %get3A_3 = arith.constant 0 : index
    %get3A_4 = arith.constant 0 : index
    %get3A_5 = vector.load %arg1[%get3A_2, %get3A_3, %get3A_4] : memref<2x1000x128xf32, #tpu.memory_space<vmem>>, vector<1x1000x128xf32>
    %get3A_6 = vector.shape_cast %get3A_5 : vector<1x1000x128xf32> to vector<1000x128xf32>
    %get3A_7 = arith.constant 1 : index
    %get3A_8 = arith.constant 0 : index
    %get3A_9 = arith.constant 0 : index
    %get3A_10 = vector.load %arg1[%get3A_7, %get3A_8, %get3A_9] : memref<2x1000x128xf32, #tpu.memory_space<vmem>>, vector<1x1000x128xf32>
    %get3A_11 = vector.shape_cast %get3A_10 : vector<1x1000x128xf32> to vector<1000x128xf32>
    %add3A = arith.addf %get3A_6, %get3A_11 : vector<1000x128xf32>
    %get3A_12 = arith.constant 0 : index
    %get3A_13 = arith.constant 0 : index
    %get3A_14 = vector.load %arg2[%get3A_12, %get3A_13] : memref<1000x128xf32, #tpu.memory_space<vmem>>, vector<1000x128xf32>
    %add3A_15 = arith.addf %add3A, %get3A_14 : vector<1000x128xf32>
    %mul3A = vector.broadcast %get3A_1 : vector<1000x1xf32> to vector<1000x128xf32>
    %mul3A_16 = arith.mulf %mul3A, %add3A_15 : vector<1000x128xf32>
    %get3A_17 = arith.constant 0 : index
    %get3A_18 = arith.constant 0 : index
    %get3A_19 = vector.load %arg4[%get3A_17, %get3A_18] : memref<1x128xf32, #tpu.memory_space<vmem>>, vector<1x128xf32>
    %add3A_20 = vector.broadcast %get3A_19 : vector<1x128xf32> to vector<1000x128xf32>
    %add3A_21 = arith.addf %mul3A_16, %add3A_20 : vector<1000x128xf32>
    %iota3A = tpu.iota {dimensions = array<i32: 1>} : vector<1000x128xi32>
    %lt3A = arith.constant 40 : i32
    %lt3A_22 = vector.broadcast %lt3A : i32 to vector<1000x128xi32>
    %lt3A_23 = arith.cmpi slt, %iota3A, %lt3A_22 : vector<1000x128xi32>
    %jit3A = arith.constant -1.000000e+30 : f32
    %broadcast_in_dim3A = vector.broadcast %jit3A : f32 to vector<1000x128xf32>
    %select_n3A = arith.select %lt3A_23, %add3A_21, %broadcast_in_dim3A : vector<1000x128xi1>, vector<1000x128xf32>
    %reduce_max3A = arith.constant dense<0xFF800000> : vector<1000xf32>
    %reduce_max3A_24 = vector.multi_reduction <maximumf>, %select_n3A, %reduce_max3A [1] : vector<1000x128xf32> to vector<1000xf32>
    %broadcast_in_dim3A_25 = vector.shape_cast %reduce_max3A_24 : vector<1000xf32> to vector<1000x1xf32>
    %squeeze3A = vector.shape_cast %broadcast_in_dim3A_25 : vector<1000x1xf32> to vector<1000xf32>
    %sub3A = vector.broadcast %broadcast_in_dim3A_25 : vector<1000x1xf32> to vector<1000x128xf32>
    %sub3A_26 = arith.subf %select_n3A, %sub3A : vector<1000x128xf32>
    %exp3A = math.exp %sub3A_26 : vector<1000x128xf32>
    %reduce_sum3A = arith.constant dense<0.000000e+00> : vector<1000xf32>
    %reduce_sum3A_27 = vector.multi_reduction <add>, %exp3A, %reduce_sum3A [1] : vector<1000x128xf32> to vector<1000xf32>
    %log3A = math.log %reduce_sum3A_27 : vector<1000xf32>
    %add3A_28 = arith.addf %squeeze3A, %log3A : vector<1000xf32>
    %get3A_29 = arith.constant 0 : index
    %get3A_30 = arith.constant 0 : index
    %get3A_31 = vector.load %arg5[%get3A_29, %get3A_30] : memref<1000x1xi32, #tpu.memory_space<vmem>>, vector<1000x1xi32>
    %eq3A = vector.broadcast %get3A_31 : vector<1000x1xi32> to vector<1000x128xi32>
    %eq3A_32 = arith.cmpi eq, %iota3A, %eq3A : vector<1000x128xi32>
    %jit3A_33 = arith.constant 0.000000e+00 : f32
    %broadcast_in_dim3A_34 = vector.broadcast %jit3A_33 : f32 to vector<1000x128xf32>
    %select_n3A_35 = arith.select %eq3A_32, %add3A_21, %broadcast_in_dim3A_34 : vector<1000x128xi1>, vector<1000x128xf32>
    %reduce_sum3A_36 = arith.constant dense<0.000000e+00> : vector<1000xf32>
    %reduce_sum3A_37 = vector.multi_reduction <add>, %select_n3A_35, %reduce_sum3A_36 [1] : vector<1000x128xf32> to vector<1000xf32>
    %sub3A_38 = arith.subf %add3A_28, %reduce_sum3A_37 : vector<1000xf32>
    %reduce_sum3A_39 = vector.shape_cast %sub3A_38 : vector<1000xf32> to vector<1x1000xf32>
    %reduce_sum3A_40 = arith.constant dense<0.000000e+00> : vector<1xf32>
    %reduce_sum3A_41 = vector.multi_reduction <add>, %reduce_sum3A_39, %reduce_sum3A_40 [1] : vector<1x1000xf32> to vector<1xf32>
    %reduce_sum3A_42 = vector.shape_cast %reduce_sum3A_41 : vector<1xf32> to vector<1x1xf32>
    %reduce_sum3A_43 = vector.extract %reduce_sum3A_42[0, 0] : f32 from vector<1x1xf32>
    %mul3A_44 = arith.constant 9.99999974E-5 : f32
    %mul3A_45 = arith.mulf %reduce_sum3A_43, %mul3A_44 : f32
    %eq3A_46 = arith.constant 0 : i32
    %eq3A_47 = arith.cmpi eq, %arg0, %eq3A_46 : i32
    %convert_element_type3A = arith.extui %eq3A_47 : i1 to i32
    %cond3A = arith.constant 0 : i32
    %cond3A_48 = arith.cmpi ne, %convert_element_type3A, %cond3A : i32
    scf.if %cond3A_48 {
      %broadcast_in_dim3A_56 = arith.constant 0.000000e+00 : f32
      %broadcast_in_dim3A_57 = vector.broadcast %broadcast_in_dim3A_56 : f32 to vector<1x1xf32>
      %swap3A_58 = arith.constant 0 : index
      %swap3A_59 = arith.constant 0 : index
      %swap3A_60 = vector.load %arg6[%swap3A_58, %swap3A_59] : memref<1x1xf32, #tpu.memory_space<vmem>>, vector<1x1xf32>
      tpu.vector_store %arg6[%swap3A_58, %swap3A_59], %broadcast_in_dim3A_57 {strides = array<i32>} : memref<1x1xf32, #tpu.memory_space<vmem>>, vector<1x1xf32>,
    } else {
    }
    %get3A_49 = arith.constant 0 : index
    %get3A_50 = arith.constant 0 : index
    %get3A_51 = vector.load %arg6[%get3A_49, %get3A_50] : memref<1x1xf32, #tpu.memory_space<vmem>>, vector<1x1xf32>
    %broadcast_in_dim3A_52 = vector.broadcast %mul3A_45 : f32 to vector<1x1xf32>
    %add3A_53 = arith.addf %get3A_51, %broadcast_in_dim3A_52 : vector<1x1xf32>
    %swap3A = arith.constant 0 : index
    %swap3A_54 = arith.constant 0 : index
    %swap3A_55 = vector.load %arg6[%swap3A, %swap3A_54] : memref<1x1xf32, #tpu.memory_space<vmem>>, vector<1x1xf32>
    tpu.vector_store %arg6[%swap3A, %swap3A_54], %add3A_53 {strides = array<i32>} : memref<1x1xf32, #tpu.memory_space<vmem>>, vector<1x1xf32>,
    return
  }
  func.func @transform_0(%arg0: i32) -> (i32, i32, i32) {
    %c0_i32 = arith.constant 0 : i32
    %c0_i32_0 = arith.constant 0 : i32
    %c0_i32_1 = arith.constant 0 : i32
    return %c0_i32, %arg0, %c0_i32_0 : i32, i32, i32
  }
  func.func @transform_1(%arg0: i32) -> (i32, i32) {
    %c0_i32 = arith.constant 0 : i32
    %c0_i32_0 = arith.constant 0 : i32
    return %arg0, %c0_i32 : i32, i32
  }
  func.func @transform_2(%arg0: i32) -> (i32, i32) {
    %c0_i32 = arith.constant 0 : i32
    %c0_i32_0 = arith.constant 0 : i32
    return %arg0, %c0_i32 : i32, i32
  }
  func.func @transform_3(%arg0: i32) -> (i32, i32) {
    %c0_i32 = arith.constant 0 : i32
    %c0_i32_0 = arith.constant 0 : i32
    %c0_i32_1 = arith.constant 0 : i32
    return %c0_i32, %c0_i32_0 : i32, i32
  }
  func.func @transform_4(%arg0: i32) -> (i32, i32) {
    %c0_i32 = arith.constant 0 : i32
    %c0_i32_0 = arith.constant 0 : i32
    return %arg0, %c0_i32 : i32, i32
  }
  func.func @transform_5(%arg0: i32) -> (i32, i32) {
    %c0_i32 = arith.constant 0 : i32
    %c0_i32_0 = arith.constant 0 : i32
    %c0_i32_1 = arith.constant 0 : i32
    return %c0_i32, %c0_i32_0 : i32, i32
  }
}

</mosaic_0001>

<sc_bundles>
// kernel: kernel.11.cloned.1.call-start
scs
__scs_entry_jumppad:
0x0: {  	(pc) =	sbr.rel $0x88, $3  }
0x1: {  	(tag) =	ssettag $0x0;
	lr =	simm.s32 $0x1  }
0x2: {  	[smem:$0x3F9A] =	sst lr;
	_ =	strace $0xD0000000  }
0x3: {  	_ = 	snop  }
0x4: {  	_ = 	snop  }
0x5: {  	_ = 	snop  }
0x6: {  	_ = 	snop  }
0x7: {  	_ = 	snop  }
__scs_overlays_trampoline_lowered:
0x8: {  	[smem:$0x3FA9] =	sst s0  }
0x9: {  	[smem:$0x3FAA] =	sst s1  }
0xa: {  	[smem:$0x3FAB] =	sst s2  }
0xb: {  	[smem:$0x3FAC] =	sst s3  }
0xc: {  	[smem:$0x3FAD] =	sst s4  }
0xd: {  	[smem:$0x3FAE] =	sst s5  }
0xe: {  	[smem:$0x3FAF] =	sst s6  }
0xf: {  	[smem:$0x3FB0] =	sst s7  }
0x10: {  	[smem:$0x3FB1] =	sst s8  }
0x11: {  	[smem:$0x3FB2] =	sst s9;
	s0 =	simm.s32 @!p0 $0x0  }
0x12: {  	s1 =	sld [smem:$0x3F98];
	s0 =	simm.s32 @p0 $0x1  }
0x13: {  	[smem:$0x3FB3] =	sst s0;
	s0 =	simm.s32 @!p1 $0x0  }
0x14: {  	s2 =	sld [smem:$0x3F97];
	s0 =	simm.s32 @p1 $0x1  }
0x15: {  	[smem:$0x3FB4] =	sst s0;
	s0 =	simm.s32 @!p2 $0x0  }
0x16: {  	s3 =	sld [smem:$0x3FDB];
	s0 =	simm.s32 @p2 $0x1  }
0x17: {  	s4 =	simm.s32 $0x1BF5;
	[smem:$0x3FB6] =	sst s0  }
0x18: {  	s0 =	sld [smem:$0x3F99];
	_ =	swait.ge [sflag:s4], $0x0  }
0x19: {  	s7 =	sld [smem:$0x3F9A]  }
0x1a: {  	s8 =	sadd.s32 $0xFFFFE003, lr  }
0x1b: {  	s9 =	sadd.s32 $0xFFFFFEF7, lr;
	s5 =	simm.s32 $0xFFFFFFFF;
	p2 =	slt.u32 s8, $0xFFFFF086  }
0x1c: {  	p1 =	slt.u32 s9, $0xF7A;
	s5 =	simm.s32 @!p2 $0x0  }
0x1d: {  	s5 =	simm.s32 @p1 $0x1;
	p0 =	seq.s32 s7, s2  }
0x1e: {  	s7 =	smul.u32 @!p0 $0xF7A, s2;
	p2 =	seq.s32 @!p0 s5, $0x0  }
0x1f: {  	s9 =	smul.u32 $0xF7A, s1;
	s8 =	simm.s32 @!p0 $0x1BF5;
	p2 =	por !p2, p0  }
0x20: {  	[sflag:s8] =	ssyncset.s32 @!p0 $0xFFFFF086;
	s6 =	sadd.s32 @!p0 s3, s7;
	s7 =	simm.s32 @!p0 $0x108  }
0x21: {  	s3 =	sadd.s32 s3, s9;
	s6 =	sadd.s32 @!p0 $0x88, s6;
	s7 =	simm.s32 @p2 $0x1082  }
0x22: {  	[simem:s7], [sflag:s8] =	dma.local @!p0 [hbm:s6], $0xF7A  }
0x23: {  	s9 =	sor.u32 $0xD0000000, s2;
	s6 =	simm.s32 $0x108;
	_ =	swait.ge @!p0 [sflag:s8], $0x0  }
0x24: {  	s3 =	sadd.s32 $0x88, s3;
	s6 =	simm.s32 @!p1 $0x1082;
	[sflag:s4] =	ssyncset.s32 $0xFFFFF086  }
0x25: {  	[simem:s6], [sflag:s4] =	dma.local [hbm:s3], $0xF7A  }
0x26: {  	[smem:$0x3F9A] =	sst s1;
	(tag) =	ssettag s2;
	_ =	strace s9  }
0x27: {  	s1 =	sld [smem:$0x3FAA]  }
0x28: {  	s2 =	sld [smem:$0x3FAB]  }
0x29: {  	s4 =	sld [smem:$0x3FAD]  }
0x2a: {  	p0 =	seq.s32 s5, $0x0;
	s5 =	sld [smem:$0x3FAE]  }
0x2b: {  	s6 =	sld [smem:$0x3FAF]  }
0x2c: {  	s7 =	sld [smem:$0x3FB0]  }
0x2d: {  	s3 =	simm.s32 $0x108;
	s8 =	sld [smem:$0x3FB1]  }
0x2e: {  	s3 =	simm.s32 @!p0 $0x1082;
	s9 =	sld [smem:$0x3FB2]  }
0x2f: {  	lr =	sadd.s32 s0, s3;
	s0 =	sld [smem:$0x3FA9]  }
0x30: {  	s3 =	sld [smem:$0x3FAC]  }
0x31: {  	[smem:$0x3FB5] =	sst s10  }
0x32: {  	s10 =	sld [smem:$0x3FB3];
	_ =	sdelay $0x3  }
0x33: {  	p0 =	seq.s32 s10, $0x1;
	s10 =	sld [smem:$0x3FB5];
	_ =	sdelay $0x3  }
0x34: {  	[smem:$0x3FB5] =	sst s10  }
0x35: {  	s10 =	sld [smem:$0x3FB4];
	_ =	sdelay $0x3  }
0x36: {  	p1 =	seq.s32 s10, $0x1;
	s10 =	sld [smem:$0x3FB5];
	_ =	sdelay $0x3  }
0x37: {  	[smem:$0x3FB5] =	sst s10  }
0x38: {  	s10 =	sld [smem:$0x3FB6]  }
0x39: {  	_ = 	snop;
	(pc) =	sbr.ind lr, $3  }
0x3a: {  	_ = 	snop  }
0x3b: {  	_ = 	snop  }
0x3c: {  	p2 =	seq.s32 s10, $0x1;
	s10 =	sld [smem:$0x3FB5]  }
0x3d: {  	_ =	shalt  }
0x3e: {  	_ =	shalt  }
0x3f: {  	_ =	shalt  }
0x40: {  	_ =	shalt  }
0x41: {  	_ =	shalt  }
0x42: {  	_ =	shalt  }
0x43: {  	_ =	shalt  }
0x44: {  	_ =	shalt  }
0x45: {  	_ =	shalt  }
0x46: {  	_ =	shalt  }
0x47: {  	_ =	shalt  }
0x48: {  	_ =	shalt  }
0x49: {  	_ =	shalt  }
0x4a: {  	_ =	shalt  }
0x4b: {  	_ =	shalt  }
0x4c: {  	_ =	shalt  }
0x4d: {  	_ =	shalt  }
0x4e: {  	_ =	shalt  }
0x4f: {  	_ =	shalt  }
0x50: {  	_ =	shalt  }
0x51: {  	_ =	shalt  }
0x52: {  	_ =	shalt  }
0x53: {  	_ =	shalt  }
0x54: {  	_ =	shalt  }
0x55: {  	_ =	shalt  }
0x56: {  	_ =	shalt  }
0x57: {  	_ =	shalt  }
0x58: {  	_ =	shalt  }
0x59: {  	_ =	shalt  }
0x5a: {  	_ =	shalt  }
0x5b: {  	_ =	shalt  }
0x5c: {  	_ =	shalt  }
0x5d: {  	_ =	shalt  }
0x5e: {  	_ =	shalt  }
0x5f: {  	_ =	shalt  }
0x60: {  	_ =	shalt  }
0x61: {  	_ =	shalt  }
0x62: {  	_ =	shalt  }
0x63: {  	_ =	shalt  }
0x64: {  	_ =	shalt  }
0x65: {  	_ =	shalt  }
0x66: {  	_ =	shalt  }
0x67: {  	_ =	shalt  }
0x68: {  	_ =	shalt  }
0x69: {  	_ =	shalt  }
0x6a: {  	_ =	shalt  }
0x6b: {  	_ =	shalt  }
0x6c: {  	_ =	shalt  }
0x6d: {  	_ =	shalt  }
0x6e: {  	_ =	shalt  }
0x6f: {  	_ =	shalt  }
0x70: {  	_ =	shalt  }
0x71: {  	_ =	shalt  }
0x72: {  	_ =	shalt  }
0x73: {  	_ =	shalt  }
0x74: {  	_ =	shalt  }
0x75: {  	_ =	shalt  }
0x76: {  	_ =	shalt  }
0x77: {  	_ =	shalt  }
0x78: {  	_ =	shalt  }
0x79: {  	_ =	shalt  }
0x7a: {  	_ =	shalt  }
0x7b: {  	_ =	shalt  }
0x7c: {  	_ =	shalt  }
0x7d: {  	_ =	shalt  }
0x7e: {  	_ =	shalt  }
0x7f: {  	_ =	shalt  }
0x80: {  	_ =	shalt  }
0x81: {  	_ =	shalt  }
0x82: {  	_ =	shalt  }
0x83: {  	_ =	shalt  }
0x84: {  	_ =	shalt  }
0x85: {  	_ =	shalt  }
0x86: {  	_ =	shalt  }
0x87: {  	_ =	shalt  }
.Lfunc_end0:
.L_simem_size_0:
called_computation.1_lowered:
.L_overlay_start_0:
0x88: {  	s2 =	sld [smem:$0x3FD9]  }
0x89: {  	s3 =	sld [smem:$0x3FFE];
	_ =	sdelay $0x1  }
0x8a: {  	s1 =	srdreg.scid  }
0x8b: {  	s0 =	sand.u32 $0x1, s1  }
0x8c: {  	s16 =	sshll.u32 s0, $0xA;
	s2 =	sadd.s32 s3, s2  }
0x8d: {  	s2 =	sadd.s32 s2, s16  }
0x8e: {  	[smem:$0x3FC1] =	sst s2  }
0x8f: {  	_ = 	snop  }
0x90: {  	(tm) =	ssettm $0x1  }
0x91: {  	s17 =	sld [smem:$0x3FFB];
	_ =	sdelay $0x3  }
0x92: {  	_ =	strace s17  }
0x93: {  	s2 =	sld [smem:$0x3FFC];
	_ =	sdelay $0x3  }
0x94: {  	_ =	strace s2  }
0x95: {  	s2 =	sld [smem:$0x3FFD];
	_ =	sdelay $0x3  }
0x96: {  	_ =	strace s2  }
0x97: {  	_ =	strace $0x8FFFFFFF  }
0x98: {  	s18 =	sld [smem:$0x3FDB];
	_ =	sdelay $0x1  }
0x99: {  	s19 =	simm.s32 $_scs_section_size  }
0x9a: {  	s4 =	simm.s32 $_size__tile_overlayer_lowered;
	s5 =	simm.s32 $_tile_overlayer_lowered  }
0x9b: {  	s22 =	simm.s32 $0x1BFF;
	s21 =	sshll.u32 s5, $0x1;
	s2 =	sadd.s32 s19, s18  }
0x9c: {  	s6 =	simm.s32 $0x0;
	s20 =	sshll.u32 s4, $0x1;
	s4 =	sadd.s32 s21, s2  }
0x9d: {  	[timem:s6], [sflag:s22] =	dma.local [hbm:s4], s20  }
0x9e: {  	_ =	swait.ge [sflag:s22], s20  }
0x9f: {  	s3 =	ssub.s32 $0x0, s20;
	[sflag:s22] =	ssyncset.done $0x0  }
0xa0: {  	[sflag:s22] =	ssyncadd.s32 s3;
	_ =	sdelay $0x1  }
0xa1: {  	s23 =	simm.s32 $0x1B8B  }
0xa2: {  	_ =	swait.ge [sflag:s23], $0x1  }
0xa3: {  	[sflag:s23] =	ssyncset.done $0x0  }
0xa4: {  	s25 =	simm.s32 $0x1B8E;
	s24 =	sld [smem:$0x3FFE];
	[sflag:s23] =	ssyncadd.s32 $0xFFFFFFFF  }
0xa5: {  	s26 =	simm.s32 $execute0_lowered;
	[smem:$0x3FD2] =	sst s25  }
0xa6: {  	s4 =	sshll.u32 s26, $0x1;
	_ =	strace $0x80000049;
	[dreg:$0x1] =	wrdreg $0xFFFFFFFF  }
0xa7: {  	s28 =	simm.s32 $_size_execute0_lowered;
	s2 =	sadd.s32 s2, s4;
	[dreg:$0x0] =	wrdreg $0x0  }
0xa8: {  	s4 =	sshll.u32 s28, $0x1;
	[dreg:$0x2] =	wrdreg s2  }
0xa9: {  	[dreg:$0x3] =	wrdreg s4  }
0xaa: {  	[dreg:$0x4] =	wrdreg $0xC0  }
0xab: {  	_ =	task [dreg:s6], $0x5FFFF  }
0xac: {  	[dreg:$0x1] =	wrdreg $0xFFFFFFFF  }
0xad: {  	[dreg:$0x0] =	wrdreg $0x60  }
0xae: {  	[dreg:$0x2] =	wrdreg s24  }
0xaf: {  	[dreg:$0x3] =	wrdreg $0x41800  }
0xb0: {  	[dreg:$0x4] =	wrdreg $0x9  }
0xb1: {  	_ =	task.clear_ibuf [dreg:s6], $0x5FFFF;
	_ =	strace $0x90000049  }
0xb2: {  	s29 =	simm.s32 $0x9;
	_ =	strace $0x8000004B  }
0xb3: {  	_ =	swait.ge [sflag:s29], $0x1  }
0xb4: {  	[sflag:s29] =	ssyncadd.s32 $0xFFFFFFFF  }
0xb5: {  	_ =	strace $0x9000004B  }
0xb6: {  	_ =	sfence  }
0xb7: {  	s30 =	sld [smem:$0x0];
	_ =	sdelay $0x2  }
0xb8: {  	s31 =	sshll.u32 s1, $0xD;
	s1 =	sshrl.u32 s1, $0x2  }
0xb9: {  	s3 =	sand.u32 $0x4000, s31;
	s1 =	sadd.s32 s1, s30  }
0xba: {  	s0 =	sor.u32 s3, s0;
	s1 =	sshll.u32 s1, $0x11  }
0xbb: {  	s0 =	sor.u32 s1, s0  }
0xbc: {  	s0 =	sadd.s32 $0x8F2B, s0  }
0xbd: {  	[sflag:s0] =	ssyncadd.remote.s32 $0x1  }
0xbe: {  	_ =	sfence.sel $0xFFFF  }
0xbf: {  	[dreg:$0x0] =	wrdreg $0xFFFFFFFF;
	(pc) =	sbr.abs _section_cstart, $3  }
0xc0: {  	[dreg:$0x1] =	wrdreg $0xFFFFFFFF  }
0xc1: {  	_ =	task.clear_ibuf [dreg:s6], $0x2FFFF;
	_ =	strace $0x9FFFFFFF  }
0xc2: {  	(tm) =	ssettm $0x7FFFFFFF  }
0xc3: {  	_ =	shalt  }
tec
execute0_lowered:
.L_overlay_start_1:
0x0: {  	(tag) =	ssettag $0x1  }
0x1: {  	s6 =	rddreg [dreg:$0x0]  }
0x2: {  	s2 =	rddreg [dreg:$0x1]  }
0x3: {  	s0 =	rddreg [dreg:$0x2]  }
0x4: {  	s3 =	simm.s32 $0x0;
	s1 =	stileid.u32;
	s7 =	srdreg.scid  }
0x5: {  	[smem:$0x7FF] =	sst s3;
	s5 =	smul.u32 $0x2700, s1  }
0x6: {  	s4 =	sshll.u32 s1, $0x4;
	s7 =	sand.u32 $0x1, s7;
	s8 =	smul.u32 $0x4E000, s1  }
0x7: {  	s13 =	smul.u32 $0x13800, s1;
	s14 =	sadd.s32 $0x94C00, s6;
	p0 =	seq.s32 s1, $0xF  }
0x8: {  	_ =	strace $0x8000004A;
	s11 =	sadd.s32 s4, s6;
	s10 =	smul.u32 $0x138800, s7  }
0x9: {  	s4 =	sadd.s32 $0x46A00, s6;
	s9 =	ssub.s32 $0x2, s7;
	s30 =	smul.u32 $0x2710, s7  }
0xa: {  	s5 =	sadd.s32 s5, s6;
	s12 =	sshrl.u32 s9, $0x1;
	s8 =	sshrl.u32 s8, $0x2  }
0xb: {  	s6 =	sadd.s32 $0x44100, s6;
	s9 =	ssub.s32 s9, s12;
	s15 =	sadd.s32 s8, s2  }
0xc: {  	s5 =	sadd.s32 $0x1F800, s5;
	s29 =	sadd.s32 s13, s10;
	s10 =	sshrl.u32 s10, $0x3  }
0xd: {  	s12 =	sadd.s32 $0x124800, s2;
	s8 =	sshrl.u32 s29, $0x3;
	s31 =	sadd.s32 s14, s10  }
0xe: {  	s9 =	smax.u32 s9, $0x1;
	s10 =	sadd.s32 $0xBA00, s11;
	s11 =	sadd.s32 $0x1C00, s11  }
0xf: {  	s12 =	sshrl.u32 @p0 s12, $0x3;
	s7 =	sadd.s32 s14, s8;
	s14 =	sshll.u32 @!p0 s1, $0x6  }
0x10: {  	v0 =	vmov s30;
	s8 =	sadd.s32 $0x24900, s31;
	s13 =	sor.u32 @!p0 $0x1C04, s14;
	s14 =	sshrl.u32 @!p0 s15, $0x3  }
.LBB2_1:
0x11: {  	s15 =	simm.s32 @p0 $0x1FC4  }
0x12: {  	[spmem:s12], [sflag:s15] =	dma.local @p0 [hbm:s6], $0x2800  }
0x13: {  	s15 =	simm.s32 @p0 $0x4  }
0x14: {  	_ =	swait.ge @p0 [sflag:s15], $0x2800  }
0x15: {  	[sflag:s15] =	ssyncset.done @p0 $0x0  }
0x16: {  	[sflag:s15] =	ssyncadd.s32 @p0 $0xFFFFD800;
	s15 =	simm.s32 @!p0 $0x4  }
0x17: {  	[spmem:s14], [sflag:s13] =	dma.local @!p0 [hbm:s5], $0x2700  }
0x18: {  	_ =	swait.ge @!p0 [sflag:s15], $0x2700  }
0x19: {  	[sflag:s15] =	ssyncset.done @!p0 $0x0  }
0x1a: {  	p2 =	sgt.u32 s1, $0x9C3;
	[sflag:s15] =	ssyncadd.s32 @!p0 $0xFFFFD900  }
0x1b: {  	s16 =	simm.s32 @!p2 $0x0;
	s15 =	sadd.s32 @!p2 $0x0, s11;
	[bflag:$0x0] =	sbarrier.arrive $0xFFFF  }
0x1c: {  	[tilespmem:s16], [sflag:$0x2] =	stream.linear.gather @!p2 [hbm4b:s15+s16], $0x80, $0x38;
	[tilespmem:$0x17A00] =	vst v63  }
0x1d: {  	s17 =	sadd.s32 @!p2 $0x0, s10;
	s18 =	simm.s32 @!p2 $0x2;
	s15 =	simm.s32 @!p2 $0x100  }
0x1e: {  	[tilespmem:s15], [sflag:$0x3] =	stream.linear.gather @!p2 [hbm4b:s17+s16], $0x80, $0x38;
	[tilespmem:$0x17A00] =	vst v63  }
0x1f: {  	p1 =	por p2, p2;
	_ =	swait.ge @!p2 [sflag:s18], $0x80  }
0x20: {  	[sflag:s18] =	ssyncset.done @!p1 $0x0  }
0x21: {  	[sflag:s18] =	ssyncadd.s32 @!p1 $0xFFFFFF80  }
0x22: {  	v1 =	vld @!p1 [tilespmem:$0x70]  }
0x23: {  	v2 =	vld @!p1 [tilespmem:$0x50]  }
0x24: {  	v3 =	vld @!p1 [tilespmem:$0x60]  }
0x25: {  	v4 =	vld @!p1 [tilespmem:$0x40]  }
0x26: {  	v5 =	vld @!p1 [tilespmem:$0x30]  }
0x27: {  	v6 =	vld @!p1 [tilespmem:$0x20];
	v1 =	vadd.s32 @!p1 v0, v1  }
0x28: {  	v7 =	vld @!p1 [tilespmem:$0x10];
	v2 =	vadd.s32 @!p1 v0, v2;
	[tilespmem:$0xF0] =	vst @!p1 v1  }
0x29: {  	v1 =	vld @!p1 [tilespmem:$0x0];
	[tilespmem:$0xD0] =	vst @!p1 v2;
	v2 =	vadd.s32 @!p1 v0, v3  }
0x2a: {  	v3 =	vadd.s32 @!p1 v0, v4;
	[tilespmem:$0xE0] =	vst @!p1 v2  }
0x2b: {  	v2 =	vadd.s32 @!p1 v0, v5;
	[tilespmem:$0xC0] =	vst @!p1 v3  }
0x2c: {  	v3 =	vadd.s32 @!p1 v0, v6;
	[tilespmem:$0xB0] =	vst @!p1 v2  }
0x2d: {  	v2 =	vadd.s32 @!p1 v0, v7;
	[tilespmem:$0xA0] =	vst @!p1 v3  }
0x2e: {  	[tilespmem:$0x90] =	vst @!p1 v2;
	v1 =	vadd.s32 @!p1 v0, v1  }
0x2f: {  	s19 =	simm.s32 @!p1 $0x3;
	[tilespmem:$0x80] =	vst @!p1 v1  }
0x30: {  	s20 =	simm.s32 @!p1 $0x180;
	_ =	swait.ge @!p1 [sflag:s19], $0x80  }
0x31: {  	s16 =	simm.s32 $0x100;
	s17 =	sadd.s32 $0x10, s1;
	[sflag:s19] =	ssyncset.done @!p1 $0x0  }
0x32: {  	s18 =	simm.s32 @!p2 $0x1;
	[sflag:s19] =	ssyncadd.s32 @!p1 $0xFFFFFF80;
	s19 =	simm.s32 @!p1 $0x80  }
.LBB2_2:
0x33: {  	[tilespmem:s20], [sflag:$0x1] =	stream.indirect.gather @!p1 [hbm4b:s4+s19], $0x80, s19, s19, $0xb8;
	[tilespmem:$0x17A00] =	vst v63  }
0x34: {  	s21 =	smov.u32 s16;
	s16 =	sadd.s32 $0x100, s16;
	_ =	swait.ge @!p1 [sflag:s18], $0x4000  }
0x35: {  	p2 =	sne.s32 s16, $0x9D00;
	[sflag:s18] =	ssyncset.done @!p1 $0x0  }
0x36: {  	[sflag:s18] =	ssyncadd.s32 @!p1 $0xFFFFC000;
	s18 =	simm.s32 @!p1 $0x4  }
0x37: {  	[spmem:s2] =	stream.indirect.scatter.add.f32 @!p1 [tilespmem:s20], [sflag:$0x4], $0x80, s15, s19, $0xb8;
	[tilespmem:$0x17A00] =	vst v63  }
0x38: {  	_ =	swait.ge @!p1 [sflag:s18], $0x4000  }
0x39: {  	p3 =	sgt.u32 s17, $0x9C3;
	[sflag:s18] =	ssyncset.done @!p1 $0x0  }
0x3a: {  	s15 =	sadd.s32 @!p3 s21, s11;
	s19 =	simm.s32 @!p3 $0x0;
	[sflag:s18] =	ssyncadd.s32 @!p1 $0xFFFFC000  }
0x3b: {  	[tilespmem:s19], [sflag:$0x2] =	stream.linear.gather @!p3 [hbm4b:s15+s19], $0x80, $0x38;
	[tilespmem:$0x17A00] =	vst v63  }
0x3c: {  	s20 =	simm.s32 @!p3 $0x2;
	s18 =	sadd.s32 @!p3 s21, s10;
	s15 =	simm.s32 @!p3 $0x100  }
0x3d: {  	[tilespmem:s15], [sflag:$0x3] =	stream.linear.gather @!p3 [hbm4b:s18+s19], $0x80, $0x38;
	[tilespmem:$0x17A00] =	vst v63  }
0x3e: {  	p1 =	por p3, p3;
	s18 =	simm.s32 @!p3 $0x1;
	_ =	swait.ge @!p3 [sflag:s20], $0x80  }
0x3f: {  	[sflag:s20] =	ssyncset.done @!p1 $0x0  }
0x40: {  	[sflag:s20] =	ssyncadd.s32 @!p1 $0xFFFFFF80  }
0x41: {  	v1 =	vld @!p1 [tilespmem:$0x70]  }
0x42: {  	v2 =	vld @!p1 [tilespmem:$0x50]  }
0x43: {  	v3 =	vld @!p1 [tilespmem:$0x60]  }
0x44: {  	v4 =	vld @!p1 [tilespmem:$0x40]  }
0x45: {  	v5 =	vld @!p1 [tilespmem:$0x30]  }
0x46: {  	v6 =	vld @!p1 [tilespmem:$0x20];
	v1 =	vadd.s32 @!p1 v0, v1  }
0x47: {  	v7 =	vld @!p1 [tilespmem:$0x10];
	v2 =	vadd.s32 @!p1 v0, v2;
	[tilespmem:$0xF0] =	vst @!p1 v1  }
0x48: {  	v1 =	vld @!p1 [tilespmem:$0x0];
	[tilespmem:$0xD0] =	vst @!p1 v2;
	v2 =	vadd.s32 @!p1 v0, v3  }
0x49: {  	v3 =	vadd.s32 @!p1 v0, v4;
	[tilespmem:$0xE0] =	vst @!p1 v2  }
0x4a: {  	v2 =	vadd.s32 @!p1 v0, v5;
	[tilespmem:$0xC0] =	vst @!p1 v3  }
0x4b: {  	v3 =	vadd.s32 @!p1 v0, v6;
	[tilespmem:$0xB0] =	vst @!p1 v2  }
0x4c: {  	v2 =	vadd.s32 @!p1 v0, v7;
	[tilespmem:$0xA0] =	vst @!p1 v3  }
.Ltmp0:
0x4d: {  	v1 =	vadd.s32 @!p1 v0, v1;
	[tilespmem:$0x90] =	vst @!p1 v2;
	(pc) =	sbr.rel @p2 .LBB2_2-.Ltmp0, $4  }
0x4e: {  	s19 =	simm.s32 @!p1 $0x3;
	[tilespmem:$0x80] =	vst @!p1 v1  }
0x4f: {  	_ =	swait.ge @!p1 [sflag:s19], $0x80  }
0x50: {  	s17 =	sadd.s32 $0x10, s17;
	[sflag:s19] =	ssyncset.done @!p1 $0x0  }
0x51: {  	s20 =	simm.s32 @!p1 $0x180;
	[sflag:s19] =	ssyncadd.s32 @!p1 $0xFFFFFF80;
	s19 =	simm.s32 @!p1 $0x80  }
0x52: {  	[tilespmem:s20], [sflag:$0x1] =	stream.indirect.gather @!p1 [hbm4b:s4+s19], $0x80, s19, s19, $0xb8;
	[tilespmem:$0x17A00] =	vst v63  }
0x53: {  	_ =	swait.ge @!p1 [sflag:s18], $0x4000  }
0x54: {  	[sflag:s18] =	ssyncset.done @!p1 $0x0  }
0x55: {  	s16 =	simm.s32 @!p1 $0x4;
	[sflag:s18] =	ssyncadd.s32 @!p1 $0xFFFFC000  }
0x56: {  	[spmem:s2] =	stream.indirect.scatter.add.f32 @!p1 [tilespmem:s20], [sflag:$0x4], $0x80, s15, s19, $0xb8;
	[tilespmem:$0x17A00] =	vst v63  }
0x57: {  	_ =	swait.ge @!p1 [sflag:s16], $0x4000  }
0x58: {  	[sflag:s16] =	ssyncset.done @!p1 $0x0  }
0x59: {  	[sflag:s16] =	ssyncadd.s32 @!p1 $0xFFFFC000  }
0x5a: {  	s15 =	simm.s32 @p0 $0x1FC4;
	[bflag:$0x0] =	sbarrier.arrive $0xFFFF  }
0x5b: {  	[hbm:s8], [sflag:s15] =	dma.local @p0 [spmem:s12], $0x2800  }
0x5c: {  	s15 =	simm.s32 @p0 $0x4  }
0x5d: {  	s3 =	sadd.s32 $0x1, s3;
	_ =	swait.ge @p0 [sflag:s15], $0x2800  }
0x5e: {  	p1 =	sne.s32 s3, s9;
	[sflag:s15] =	ssyncset.done @p0 $0x0  }
.Ltmp1:
0x5f: {  	[sflag:s15] =	ssyncadd.s32 @p0 $0xFFFFD800;
	s15 =	simm.s32 @!p0 $0x4;
	(pc) =	sbr.rel @p1 .LBB2_1-.Ltmp1, $4  }
0x60: {  	[hbm:s7], [sflag:s13] =	dma.local @!p0 [spmem:s14], $0x2700  }
0x61: {  	_ =	swait.ge @!p0 [sflag:s15], $0x2700  }
0x62: {  	[sflag:s15] =	ssyncset.done @!p0 $0x0  }
0x63: {  	[sflag:s15] =	ssyncadd.s32 @!p0 $0xFFFFD900  }
0x64: {  	_ =	sfence.sel $0x180000  }
0x65: {  	[bflag:$0x0] =	sbarrier.arrive $0xFFFF  }
0x66: {  	p0 =	sne.s32 s1, $0x0;
	_ =	strace $0x9000004A  }
0x67: {  	s0 =	sadd.s32 @!p0 $0x100000, s0;
	[bflag:$0x2] =	sbarrier.arrive $0xFFFF  }
0x68: {  	[sflag:s0] =	ssyncadd.tile.s32 @!p0 $0x1;
	_ =	shalt  }
.Lfunc_end2:
_tile_overlayer_lowered:
.L_overlay_start_2:
0x69: {  	(tag) =	ssettag $0x2  }
0x6a: {  	s0 =	rddreg [dreg:$0x0];
	s2 =	stileid.u32  }
0x6b: {  	s1 =	rddreg [dreg:$0x1];
	p0 =	sne.s32 s2, $0x0  }
0x6c: {  	s3 =	rddreg [dreg:$0x2];
	[bflag:$0x3] =	sbarrier.arrive $0xFFFF;
	s2 =	simm.s32 @!p0 $0x1C04  }
0x6d: {  	[timem:s3], [sflag:s2] =	dma.local @!p0 [hbm:s0], s1  }
0x6e: {  	s0 =	simm.s32 @!p0 $0x4  }
0x6f: {  	_ =	swait.ge @!p0 [sflag:s0], s1  }
0x70: {  	s1 =	ssub.s32 @!p0 $0x0, s1;
	[sflag:s0] =	ssyncset.done @!p0 $0x0  }
0x71: {  	[sflag:s0] =	ssyncadd.s32 @!p0 s1  }
0x72: {  	[bflag:$0x3] =	sbarrier.arrive $0xFFFF  }
0x73: {  	_ =	shalt  }

// kernel: kernel.14.cloned.1.call-start
scs
__scs_entry_jumppad:
0x0: {  	(pc) =	sbr.rel $0x88, $3  }
0x1: {  	(tag) =	ssettag $0x0;
	lr =	simm.s32 $0x1  }
0x2: {  	[smem:$0x3F9A] =	sst lr;
	_ =	strace $0xD0000000  }
0x3: {  	_ = 	snop  }
0x4: {  	_ = 	snop  }
0x5: {  	_ = 	snop  }
0x6: {  	_ = 	snop  }
0x7: {  	_ = 	snop  }
__scs_overlays_trampoline_lowered:
0x8: {  	[smem:$0x3FA9] =	sst s0  }
0x9: {  	[smem:$0x3FAA] =	sst s1  }
0xa: {  	[smem:$0x3FAB] =	sst s2  }
0xb: {  	[smem:$0x3FAC] =	sst s3  }
0xc: {  	[smem:$0x3FAD] =	sst s4  }
0xd: {  	[smem:$0x3FAE] =	sst s5  }
0xe: {  	[smem:$0x3FAF] =	sst s6  }
0xf: {  	[smem:$0x3FB0] =	sst s7  }
0x10: {  	[smem:$0x3FB1] =	sst s8  }
0x11: {  	[smem:$0x3FB2] =	sst s9;
	s0 =	simm.s32 @!p0 $0x0  }
0x12: {  	s1 =	sld [smem:$0x3F98];
	s0 =	simm.s32 @p0 $0x1  }
0x13: {  	[smem:$0x3FB3] =	sst s0;
	s0 =	simm.s32 @!p1 $0x0  }
0x14: {  	s2 =	sld [smem:$0x3F97];
	s0 =	simm.s32 @p1 $0x1  }
0x15: {  	[smem:$0x3FB4] =	sst s0;
	s0 =	simm.s32 @!p2 $0x0  }
0x16: {  	s3 =	sld [smem:$0x3FDB];
	s0 =	simm.s32 @p2 $0x1  }
0x17: {  	s4 =	simm.s32 $0x1BF5;
	[smem:$0x3FB6] =	sst s0  }
0x18: {  	s0 =	sld [smem:$0x3F99];
	_ =	swait.ge [sflag:s4], $0x0  }
0x19: {  	s7 =	sld [smem:$0x3F9A]  }
0x1a: {  	s8 =	sadd.s32 $0xFFFFE003, lr  }
0x1b: {  	s9 =	sadd.s32 $0xFFFFFEF7, lr;
	s5 =	simm.s32 $0xFFFFFFFF;
	p2 =	slt.u32 s8, $0xFFFFF086  }
0x1c: {  	p1 =	slt.u32 s9, $0xF7A;
	s5 =	simm.s32 @!p2 $0x0  }
0x1d: {  	s5 =	simm.s32 @p1 $0x1;
	p0 =	seq.s32 s7, s2  }
0x1e: {  	s7 =	smul.u32 @!p0 $0xF7A, s2;
	p2 =	seq.s32 @!p0 s5, $0x0  }
0x1f: {  	s9 =	smul.u32 $0xF7A, s1;
	s8 =	simm.s32 @!p0 $0x1BF5;
	p2 =	por !p2, p0  }
0x20: {  	[sflag:s8] =	ssyncset.s32 @!p0 $0xFFFFF086;
	s6 =	sadd.s32 @!p0 s3, s7;
	s7 =	simm.s32 @!p0 $0x108  }
0x21: {  	s3 =	sadd.s32 s3, s9;
	s6 =	sadd.s32 @!p0 $0x88, s6;
	s7 =	simm.s32 @p2 $0x1082  }
0x22: {  	[simem:s7], [sflag:s8] =	dma.local @!p0 [hbm:s6], $0xF7A  }
0x23: {  	s9 =	sor.u32 $0xD0000000, s2;
	s6 =	simm.s32 $0x108;
	_ =	swait.ge @!p0 [sflag:s8], $0x0  }
0x24: {  	s3 =	sadd.s32 $0x88, s3;
	s6 =	simm.s32 @!p1 $0x1082;
	[sflag:s4] =	ssyncset.s32 $0xFFFFF086  }
0x25: {  	[simem:s6], [sflag:s4] =	dma.local [hbm:s3], $0xF7A  }
0x26: {  	[smem:$0x3F9A] =	sst s1;
	(tag) =	ssettag s2;
	_ =	strace s9  }
0x27: {  	s1 =	sld [smem:$0x3FAA]  }
0x28: {  	s2 =	sld [smem:$0x3FAB]  }
0x29: {  	s4 =	sld [smem:$0x3FAD]  }
0x2a: {  	p0 =	seq.s32 s5, $0x0;
	s5 =	sld [smem:$0x3FAE]  }
0x2b: {  	s6 =	sld [smem:$0x3FAF]  }
0x2c: {  	s7 =	sld [smem:$0x3FB0]  }
0x2d: {  	s3 =	simm.s32 $0x108;
	s8 =	sld [smem:$0x3FB1]  }
0x2e: {  	s3 =	simm.s32 @!p0 $0x1082;
	s9 =	sld [smem:$0x3FB2]  }
0x2f: {  	lr =	sadd.s32 s0, s3;
	s0 =	sld [smem:$0x3FA9]  }
0x30: {  	s3 =	sld [smem:$0x3FAC]  }
0x31: {  	[smem:$0x3FB5] =	sst s10  }
0x32: {  	s10 =	sld [smem:$0x3FB3];
	_ =	sdelay $0x3  }
0x33: {  	p0 =	seq.s32 s10, $0x1;
	s10 =	sld [smem:$0x3FB5];
	_ =	sdelay $0x3  }
0x34: {  	[smem:$0x3FB5] =	sst s10  }
0x35: {  	s10 =	sld [smem:$0x3FB4];
	_ =	sdelay $0x3  }
0x36: {  	p1 =	seq.s32 s10, $0x1;
	s10 =	sld [smem:$0x3FB5];
	_ =	sdelay $0x3  }
0x37: {  	[smem:$0x3FB5] =	sst s10  }
0x38: {  	s10 =	sld [smem:$0x3FB6]  }
0x39: {  	_ = 	snop;
	(pc) =	sbr.ind lr, $3  }
0x3a: {  	_ = 	snop  }
0x3b: {  	_ = 	snop  }
0x3c: {  	p2 =	seq.s32 s10, $0x1;
	s10 =	sld [smem:$0x3FB5]  }
0x3d: {  	_ =	shalt  }
0x3e: {  	_ =	shalt  }
0x3f: {  	_ =	shalt  }
0x40: {  	_ =	shalt  }
0x41: {  	_ =	shalt  }
0x42: {  	_ =	shalt  }
0x43: {  	_ =	shalt  }
0x44: {  	_ =	shalt  }
0x45: {  	_ =	shalt  }
0x46: {  	_ =	shalt  }
0x47: {  	_ =	shalt  }
0x48: {  	_ =	shalt  }
0x49: {  	_ =	shalt  }
0x4a: {  	_ =	shalt  }
0x4b: {  	_ =	shalt  }
0x4c: {  	_ =	shalt  }
0x4d: {  	_ =	shalt  }
0x4e: {  	_ =	shalt  }
0x4f: {  	_ =	shalt  }
0x50: {  	_ =	shalt  }
0x51: {  	_ =	shalt  }
0x52: {  	_ =	shalt  }
0x53: {  	_ =	shalt  }
0x54: {  	_ =	shalt  }
0x55: {  	_ =	shalt  }
0x56: {  	_ =	shalt  }
0x57: {  	_ =	shalt  }
0x58: {  	_ =	shalt  }
0x59: {  	_ =	shalt  }
0x5a: {  	_ =	shalt  }
0x5b: {  	_ =	shalt  }
0x5c: {  	_ =	shalt  }
0x5d: {  	_ =	shalt  }
0x5e: {  	_ =	shalt  }
0x5f: {  	_ =	shalt  }
0x60: {  	_ =	shalt  }
0x61: {  	_ =	shalt  }
0x62: {  	_ =	shalt  }
0x63: {  	_ =	shalt  }
0x64: {  	_ =	shalt  }
0x65: {  	_ =	shalt  }
0x66: {  	_ =	shalt  }
0x67: {  	_ =	shalt  }
0x68: {  	_ =	shalt  }
0x69: {  	_ =	shalt  }
0x6a: {  	_ =	shalt  }
0x6b: {  	_ =	shalt  }
0x6c: {  	_ =	shalt  }
0x6d: {  	_ =	shalt  }
0x6e: {  	_ =	shalt  }
0x6f: {  	_ =	shalt  }
0x70: {  	_ =	shalt  }
0x71: {  	_ =	shalt  }
0x72: {  	_ =	shalt  }
0x73: {  	_ =	shalt  }
0x74: {  	_ =	shalt  }
0x75: {  	_ =	shalt  }
0x76: {  	_ =	shalt  }
0x77: {  	_ =	shalt  }
0x78: {  	_ =	shalt  }
0x79: {  	_ =	shalt  }
0x7a: {  	_ =	shalt  }
0x7b: {  	_ =	shalt  }
0x7c: {  	_ =	shalt  }
0x7d: {  	_ =	shalt  }
0x7e: {  	_ =	shalt  }
0x7f: {  	_ =	shalt  }
0x80: {  	_ =	shalt  }
0x81: {  	_ =	shalt  }
0x82: {  	_ =	shalt  }
0x83: {  	_ =	shalt  }
0x84: {  	_ =	shalt  }
0x85: {  	_ =	shalt  }
0x86: {  	_ =	shalt  }
0x87: {  	_ =	shalt  }
.Lfunc_end0:
.L_simem_size_0:
called_computation.2_lowered:
.L_overlay_start_0:
0x88: {  	s2 =	sld [smem:$0x3FD9]  }
0x89: {  	s3 =	sld [smem:$0x3FFE];
	_ =	sdelay $0x1  }
0x8a: {  	s1 =	srdreg.scid  }
0x8b: {  	s0 =	sand.u32 $0x1, s1  }
0x8c: {  	s16 =	sshll.u32 s0, $0xA;
	s2 =	sadd.s32 s3, s2  }
0x8d: {  	s2 =	sadd.s32 s2, s16  }
0x8e: {  	[smem:$0x3FC1] =	sst s2  }
0x8f: {  	_ = 	snop  }
0x90: {  	(tm) =	ssettm $0x1  }
0x91: {  	s17 =	sld [smem:$0x3FFB];
	_ =	sdelay $0x3  }
0x92: {  	_ =	strace s17  }
0x93: {  	s2 =	sld [smem:$0x3FFC];
	_ =	sdelay $0x3  }
0x94: {  	_ =	strace s2  }
0x95: {  	s2 =	sld [smem:$0x3FFD];
	_ =	sdelay $0x3  }
0x96: {  	_ =	strace s2  }
0x97: {  	_ =	strace $0x8FFFFFFF  }
0x98: {  	s18 =	sld [smem:$0x3FDB];
	_ =	sdelay $0x1  }
0x99: {  	s19 =	simm.s32 $_scs_section_size  }
0x9a: {  	s4 =	simm.s32 $_size__tile_overlayer_lowered;
	s5 =	simm.s32 $_tile_overlayer_lowered  }
0x9b: {  	s22 =	simm.s32 $0x1BFF;
	s21 =	sshll.u32 s5, $0x1;
	s2 =	sadd.s32 s19, s18  }
0x9c: {  	s6 =	simm.s32 $0x0;
	s20 =	sshll.u32 s4, $0x1;
	s4 =	sadd.s32 s21, s2  }
0x9d: {  	[timem:s6], [sflag:s22] =	dma.local [hbm:s4], s20  }
0x9e: {  	_ =	swait.ge [sflag:s22], s20  }
0x9f: {  	s3 =	ssub.s32 $0x0, s20;
	[sflag:s22] =	ssyncset.done $0x0  }
0xa0: {  	[sflag:s22] =	ssyncadd.s32 s3;
	_ =	sdelay $0x1  }
0xa1: {  	s23 =	simm.s32 $0x1B8B  }
0xa2: {  	_ =	swait.ge [sflag:s23], $0x1  }
0xa3: {  	[sflag:s23] =	ssyncset.done $0x0  }
0xa4: {  	s25 =	simm.s32 $0x1B8E;
	s24 =	sld [smem:$0x3FFE];
	[sflag:s23] =	ssyncadd.s32 $0xFFFFFFFF  }
0xa5: {  	s26 =	simm.s32 $execute0_lowered;
	[smem:$0x3FD2] =	sst s25  }
0xa6: {  	s4 =	sshll.u32 s26, $0x1;
	_ =	strace $0x8000004C;
	[dreg:$0x1] =	wrdreg $0xFFFFFFFF  }
0xa7: {  	s28 =	simm.s32 $_size_execute0_lowered;
	s2 =	sadd.s32 s2, s4;
	[dreg:$0x0] =	wrdreg $0x0  }
0xa8: {  	s4 =	sshll.u32 s28, $0x1;
	[dreg:$0x2] =	wrdreg s2  }
0xa9: {  	[dreg:$0x3] =	wrdreg s4  }
0xaa: {  	[dreg:$0x4] =	wrdreg $0xC0  }
0xab: {  	_ =	task [dreg:s6], $0x5FFFF  }
0xac: {  	[dreg:$0x1] =	wrdreg $0xFFFFFFFF  }
0xad: {  	[dreg:$0x0] =	wrdreg $0x60  }
0xae: {  	[dreg:$0x2] =	wrdreg s24  }
0xaf: {  	[dreg:$0x3] =	wrdreg $0x41000  }
0xb0: {  	[dreg:$0x4] =	wrdreg $0x9  }
0xb1: {  	_ =	task.clear_ibuf [dreg:s6], $0x5FFFF;
	_ =	strace $0x9000004C  }
0xb2: {  	s29 =	simm.s32 $0x9;
	_ =	strace $0x8000004E  }
0xb3: {  	_ =	swait.ge [sflag:s29], $0x1  }
0xb4: {  	[sflag:s29] =	ssyncadd.s32 $0xFFFFFFFF  }
0xb5: {  	_ =	strace $0x9000004E  }
0xb6: {  	_ =	sfence  }
0xb7: {  	s30 =	sld [smem:$0x0];
	_ =	sdelay $0x2  }
0xb8: {  	s31 =	sshll.u32 s1, $0xD;
	s1 =	sshrl.u32 s1, $0x2  }
0xb9: {  	s3 =	sand.u32 $0x4000, s31;
	s1 =	sadd.s32 s1, s30  }
0xba: {  	s0 =	sor.u32 s3, s0;
	s1 =	sshll.u32 s1, $0x11  }
0xbb: {  	s0 =	sor.u32 s1, s0  }
0xbc: {  	s0 =	sadd.s32 $0x8F2B, s0  }
0xbd: {  	[sflag:s0] =	ssyncadd.remote.s32 $0x1  }
0xbe: {  	_ =	sfence.sel $0xFFFF  }
0xbf: {  	[dreg:$0x0] =	wrdreg $0xFFFFFFFF;
	(pc) =	sbr.abs _section_cstart, $3  }
0xc0: {  	[dreg:$0x1] =	wrdreg $0xFFFFFFFF  }
0xc1: {  	_ =	task.clear_ibuf [dreg:s6], $0x2FFFF;
	_ =	strace $0x9FFFFFFF  }
0xc2: {  	(tm) =	ssettm $0x7FFFFFFF  }
0xc3: {  	_ =	shalt  }
tec
execute0_lowered:
.L_overlay_start_1:
0x0: {  	(tag) =	ssettag $0x1  }
0x1: {  	s6 =	rddreg [dreg:$0x0];
	s2 =	srdreg.scid  }
0x2: {  	s1 =	rddreg [dreg:$0x1];
	s5 =	sand.u32 $0x1, s2  }
0x3: {  	s3 =	simm.s32 $0x0;
	s2 =	stileid.u32;
	s4 =	smul.u32 $0x4E20, s5  }
0x4: {  	[smem:$0x7FF] =	sst s3;
	s7 =	smul.u32 $0x2700, s2  }
0x5: {  	s9 =	sadd.s32 $0x6DC00, s6;
	s15 =	sadd.s32 $0x124800, s1;
	s8 =	smul.u32 $0x4E000, s2  }
0x6: {  	s0 =	rddreg [dreg:$0x2];
	_ =	strace $0x8000004D;
	s12 =	smul.u32 $0x138800, s5  }
0x7: {  	s11 =	ssub.s32 $0x2, s5;
	s13 =	smul.u32 $0x13800, s2;
	s30 =	sshll.u32 s2, $0x4  }
0x8: {  	p0 =	seq.s32 s2, $0xF;
	s26 =	sshrl.u32 s11, $0x1;
	s10 =	sadd.s32 s4, s6  }
0x9: {  	s4 =	sadd.s32 $0x46A00, s6;
	s7 =	sadd.s32 s7, s6;
	s8 =	sshrl.u32 s8, $0x2  }
0xa: {  	s11 =	ssub.s32 s11, s26;
	s28 =	sadd.s32 s13, s12;
	s29 =	sshrl.u32 s12, $0x3  }
0xb: {  	s6 =	sadd.s32 $0x44100, s6;
	s13 =	sshll.u32 @!p0 s2, $0x6;
	s12 =	sshrl.u32 @p0 s15, $0x3  }
0xc: {  	s14 =	sadd.s32 s8, s1;
	s5 =	sadd.s32 $0x1F800, s7;
	s7 =	sshrl.u32 s28, $0x3  }
0xd: {  	s8 =	sadd.s32 s9, s29;
	s31 =	sadd.s32 s30, s10;
	s13 =	sor.u32 @!p0 $0x1C04, s13  }
0xe: {  	s7 =	sadd.s32 s9, s7;
	s8 =	sadd.s32 $0x24900, s8;
	s9 =	smax.u32 s11, $0x1  }
0xf: {  	s10 =	sadd.s32 $0xBA00, s31;
	s11 =	sadd.s32 $0x1C00, s31;
	s14 =	sshrl.u32 @!p0 s14, $0x3  }
.LBB2_1:
0x10: {  	s15 =	simm.s32 @p0 $0x1FC4  }
0x11: {  	[spmem:s12], [sflag:s15] =	dma.local @p0 [hbm:s6], $0x2800  }
0x12: {  	s15 =	simm.s32 @p0 $0x4  }
0x13: {  	_ =	swait.ge @p0 [sflag:s15], $0x2800  }
0x14: {  	[sflag:s15] =	ssyncset.done @p0 $0x0  }
0x15: {  	[sflag:s15] =	ssyncadd.s32 @p0 $0xFFFFD800;
	s15 =	simm.s32 @!p0 $0x4  }
0x16: {  	[spmem:s14], [sflag:s13] =	dma.local @!p0 [hbm:s5], $0x2700  }
0x17: {  	_ =	swait.ge @!p0 [sflag:s15], $0x2700  }
0x18: {  	[sflag:s15] =	ssyncset.done @!p0 $0x0  }
0x19: {  	p1 =	sgt.u32 s2, $0x4E1;
	[sflag:s15] =	ssyncadd.s32 @!p0 $0xFFFFD900  }
0x1a: {  	s16 =	simm.s32 @!p1 $0x0;
	s15 =	sadd.s32 @!p1 $0x0, s11;
	[bflag:$0x0] =	sbarrier.arrive $0xFFFF  }
0x1b: {  	[tilespmem:s16], [sflag:$0x2] =	stream.linear.gather @!p1 [hbm4b:s15+s16], $0x80, $0x38;
	[tilespmem:$0x17980] =	vst v63  }
0x1c: {  	s17 =	simm.s32 @!p1 $0x80;
	s18 =	simm.s32 @!p1 $0x2;
	s15 =	sadd.s32 @!p1 $0x0, s10  }
0x1d: {  	[tilespmem:s17], [sflag:$0x3] =	stream.linear.gather @!p1 [hbm4b:s15+s16], $0x80, $0x38;
	[tilespmem:$0x17980] =	vst v63  }
0x1e: {  	_ =	swait.ge @!p1 [sflag:s18], $0x80  }
0x1f: {  	[sflag:s18] =	ssyncset.done @!p1 $0x0;
	p1 =	por p1, p1  }
0x20: {  	[sflag:s18] =	ssyncadd.s32 @!p1 $0xFFFFFF80;
	s15 =	simm.s32 @!p1 $0x3  }
0x21: {  	_ =	swait.ge @!p1 [sflag:s15], $0x80  }
0x22: {  	[sflag:s15] =	ssyncset.done @!p1 $0x0  }
0x23: {  	s18 =	simm.s32 @!p1 $0x1;
	[sflag:s15] =	ssyncadd.s32 @!p1 $0xFFFFFF80;
	s15 =	simm.s32 @!p1 $0x100  }
0x24: {  	[tilespmem:s15], [sflag:$0x1] =	stream.indirect.gather @!p1 [hbm4b:s4+s17], $0x80, s16, s17, $0xb8;
	[tilespmem:$0x17980] =	vst v63  }
0x25: {  	_ =	swait.ge @!p1 [sflag:s18], $0x4000  }
0x26: {  	[sflag:s18] =	ssyncset.done @!p1 $0x0  }
0x27: {  	s16 =	sadd.s32 $0x10, s2;
	[sflag:s18] =	ssyncadd.s32 @!p1 $0xFFFFC000;
	s18 =	simm.s32 @!p1 $0x4  }
0x28: {  	[spmem:s1] =	stream.indirect.scatter.add.f32 @!p1 [tilespmem:s15], [sflag:$0x4], $0x80, s17, s17, $0xb8;
	[tilespmem:$0x17980] =	vst v63  }
0x29: {  	p2 =	sgt.u32 s16, $0x4E1;
	_ =	swait.ge @!p1 [sflag:s18], $0x4000  }
0x2a: {  	s15 =	simm.s32 $0x100;
	s17 =	simm.s32 $0x200;
	[sflag:s18] =	ssyncset.done @!p1 $0x0  }
.LBB2_2:
0x2b: {  	s19 =	sadd.s32 @!p2 s15, s11;
	s20 =	simm.s32 @!p2 $0x0;
	[sflag:s18] =	ssyncadd.s32 @!p1 $0xFFFFC000  }
0x2c: {  	[tilespmem:s20], [sflag:$0x2] =	stream.linear.gather @!p2 [hbm4b:s19+s20], $0x80, $0x38;
	[tilespmem:$0x17980] =	vst v63  }
0x2d: {  	s15 =	sadd.s32 @!p2 s15, s10;
	s18 =	simm.s32 @!p2 $0x2;
	s19 =	simm.s32 @!p2 $0x80  }
0x2e: {  	[tilespmem:s19], [sflag:$0x3] =	stream.linear.gather @!p2 [hbm4b:s15+s20], $0x80, $0x38;
	[tilespmem:$0x17980] =	vst v63  }
0x2f: {  	s15 =	smov.u32 s17;
	s17 =	sadd.s32 $0x100, s17;
	_ =	swait.ge @!p2 [sflag:s18], $0x80  }
0x30: {  	p1 =	por p2, p2;
	p3 =	sne.s32 s17, $0x4F00;
	[sflag:s18] =	ssyncset.done @!p2 $0x0  }
0x31: {  	[sflag:s18] =	ssyncadd.s32 @!p1 $0xFFFFFF80;
	s18 =	simm.s32 @!p1 $0x3  }
0x32: {  	_ =	swait.ge @!p1 [sflag:s18], $0x80  }
0x33: {  	[sflag:s18] =	ssyncset.done @!p1 $0x0  }
0x34: {  	s21 =	simm.s32 @!p1 $0x100;
	[sflag:s18] =	ssyncadd.s32 @!p1 $0xFFFFFF80;
	s18 =	simm.s32 @!p1 $0x1  }
0x35: {  	[tilespmem:s21], [sflag:$0x1] =	stream.indirect.gather @!p1 [hbm4b:s4+s19], $0x80, s20, s19, $0xb8;
	[tilespmem:$0x17980] =	vst v63  }
0x36: {  	_ =	swait.ge @!p1 [sflag:s18], $0x4000  }
.Ltmp0:
0x37: {  	[sflag:s18] =	ssyncset.done @!p1 $0x0;
	(pc) =	sbr.rel @p3 .LBB2_2-.Ltmp0, $4  }
0x38: {  	[sflag:s18] =	ssyncadd.s32 @!p1 $0xFFFFC000;
	s18 =	simm.s32 @!p1 $0x4  }
0x39: {  	[spmem:s1] =	stream.indirect.scatter.add.f32 @!p1 [tilespmem:s21], [sflag:$0x4], $0x80, s19, s19, $0xb8;
	[tilespmem:$0x17980] =	vst v63  }
0x3a: {  	s16 =	sadd.s32 $0x10, s16;
	_ =	swait.ge @!p1 [sflag:s18], $0x4000  }
0x3b: {  	p2 =	sgt.u32 s16, $0x4E1;
	[sflag:s18] =	ssyncset.done @!p1 $0x0  }
0x3c: {  	s16 =	sadd.s32 @!p2 s15, s11;
	s17 =	simm.s32 @!p2 $0x0;
	[sflag:s18] =	ssyncadd.s32 @!p1 $0xFFFFC000  }
0x3d: {  	[tilespmem:s17], [sflag:$0x2] =	stream.linear.gather @!p2 [hbm4b:s16+s17], $0x80, $0x38;
	[tilespmem:$0x17980] =	vst v63  }
0x3e: {  	s15 =	sadd.s32 @!p2 s15, s10;
	s18 =	simm.s32 @!p2 $0x2;
	s16 =	simm.s32 @!p2 $0x80  }
0x3f: {  	[tilespmem:s16], [sflag:$0x3] =	stream.linear.gather @!p2 [hbm4b:s15+s17], $0x80, $0x38;
	[tilespmem:$0x17980] =	vst v63  }
0x40: {  	_ =	swait.ge @!p2 [sflag:s18], $0x80  }
0x41: {  	p1 =	por p2, p2;
	[sflag:s18] =	ssyncset.done @!p2 $0x0  }
0x42: {  	s15 =	simm.s32 @!p1 $0x3;
	[sflag:s18] =	ssyncadd.s32 @!p1 $0xFFFFFF80  }
0x43: {  	_ =	swait.ge @!p1 [sflag:s15], $0x80  }
0x44: {  	[sflag:s15] =	ssyncset.done @!p1 $0x0  }
0x45: {  	s18 =	simm.s32 @!p1 $0x1;
	[sflag:s15] =	ssyncadd.s32 @!p1 $0xFFFFFF80;
	s15 =	simm.s32 @!p1 $0x100  }
0x46: {  	[tilespmem:s15], [sflag:$0x1] =	stream.indirect.gather @!p1 [hbm4b:s4+s16], $0x80, s17, s16, $0xb8;
	[tilespmem:$0x17980] =	vst v63  }
0x47: {  	_ =	swait.ge @!p1 [sflag:s18], $0x4000  }
0x48: {  	[sflag:s18] =	ssyncset.done @!p1 $0x0  }
0x49: {  	s17 =	simm.s32 @!p1 $0x4;
	[sflag:s18] =	ssyncadd.s32 @!p1 $0xFFFFC000  }
0x4a: {  	[spmem:s1] =	stream.indirect.scatter.add.f32 @!p1 [tilespmem:s15], [sflag:$0x4], $0x80, s16, s16, $0xb8;
	[tilespmem:$0x17980] =	vst v63  }
0x4b: {  	_ =	swait.ge @!p1 [sflag:s17], $0x4000  }
0x4c: {  	[sflag:s17] =	ssyncset.done @!p1 $0x0  }
0x4d: {  	[sflag:s17] =	ssyncadd.s32 @!p1 $0xFFFFC000  }
0x4e: {  	s15 =	simm.s32 @p0 $0x1FC4;
	[bflag:$0x0] =	sbarrier.arrive $0xFFFF  }
0x4f: {  	[hbm:s8], [sflag:s15] =	dma.local @p0 [spmem:s12], $0x2800  }
0x50: {  	s15 =	simm.s32 @p0 $0x4  }
0x51: {  	s3 =	sadd.s32 $0x1, s3;
	_ =	swait.ge @p0 [sflag:s15], $0x2800  }
0x52: {  	p1 =	sne.s32 s3, s9;
	[sflag:s15] =	ssyncset.done @p0 $0x0  }
.Ltmp1:
0x53: {  	[sflag:s15] =	ssyncadd.s32 @p0 $0xFFFFD800;
	s15 =	simm.s32 @!p0 $0x4;
	(pc) =	sbr.rel @p1 .LBB2_1-.Ltmp1, $4  }
0x54: {  	[hbm:s7], [sflag:s13] =	dma.local @!p0 [spmem:s14], $0x2700  }
0x55: {  	_ =	swait.ge @!p0 [sflag:s15], $0x2700  }
0x56: {  	[sflag:s15] =	ssyncset.done @!p0 $0x0  }
0x57: {  	[sflag:s15] =	ssyncadd.s32 @!p0 $0xFFFFD900  }
0x58: {  	_ =	sfence.sel $0x180000  }
0x59: {  	[bflag:$0x0] =	sbarrier.arrive $0xFFFF  }
0x5a: {  	p0 =	sne.s32 s2, $0x0;
	_ =	strace $0x9000004D  }
0x5b: {  	s0 =	sadd.s32 @!p0 $0x100000, s0;
	[bflag:$0x2] =	sbarrier.arrive $0xFFFF  }
0x5c: {  	[sflag:s0] =	ssyncadd.tile.s32 @!p0 $0x1;
	_ =	shalt  }
.Lfunc_end2:
_tile_overlayer_lowered:
.L_overlay_start_2:
0x5d: {  	(tag) =	ssettag $0x2  }
0x5e: {  	s0 =	rddreg [dreg:$0x0];
	s2 =	stileid.u32  }
0x5f: {  	s1 =	rddreg [dreg:$0x1];
	p0 =	sne.s32 s2, $0x0  }
0x60: {  	s3 =	rddreg [dreg:$0x2];
	[bflag:$0x3] =	sbarrier.arrive $0xFFFF;
	s2 =	simm.s32 @!p0 $0x1C04  }
0x61: {  	[timem:s3], [sflag:s2] =	dma.local @!p0 [hbm:s0], s1  }
0x62: {  	s0 =	simm.s32 @!p0 $0x4  }
0x63: {  	_ =	swait.ge @!p0 [sflag:s0], s1  }
0x64: {  	s1 =	ssub.s32 @!p0 $0x0, s1;
	[sflag:s0] =	ssyncset.done @!p0 $0x0  }
0x65: {  	[sflag:s0] =	ssyncadd.s32 @!p0 s1  }
0x66: {  	[bflag:$0x3] =	sbarrier.arrive $0xFFFF  }
0x67: {  	_ =	shalt  }

// kernel: kernel.8.cloned.1.call-start
scs
__scs_entry_jumppad:
0x0: {  	(pc) =	sbr.rel $0x88, $3  }
0x1: {  	(tag) =	ssettag $0x0;
	lr =	simm.s32 $0x1  }
0x2: {  	[smem:$0x3F9A] =	sst lr;
	_ =	strace $0xD0000000  }
0x3: {  	_ = 	snop  }
0x4: {  	_ = 	snop  }
0x5: {  	_ = 	snop  }
0x6: {  	_ = 	snop  }
0x7: {  	_ = 	snop  }
__scs_overlays_trampoline_lowered:
0x8: {  	[smem:$0x3FA9] =	sst s0  }
0x9: {  	[smem:$0x3FAA] =	sst s1  }
0xa: {  	[smem:$0x3FAB] =	sst s2  }
0xb: {  	[smem:$0x3FAC] =	sst s3  }
0xc: {  	[smem:$0x3FAD] =	sst s4  }
0xd: {  	[smem:$0x3FAE] =	sst s5  }
0xe: {  	[smem:$0x3FAF] =	sst s6  }
0xf: {  	[smem:$0x3FB0] =	sst s7  }
0x10: {  	[smem:$0x3FB1] =	sst s8  }
0x11: {  	[smem:$0x3FB2] =	sst s9;
	s0 =	simm.s32 @!p0 $0x0  }
0x12: {  	s1 =	sld [smem:$0x3F98];
	s0 =	simm.s32 @p0 $0x1  }
0x13: {  	[smem:$0x3FB3] =	sst s0;
	s0 =	simm.s32 @!p1 $0x0  }
0x14: {  	s2 =	sld [smem:$0x3F97];
	s0 =	simm.s32 @p1 $0x1  }
0x15: {  	[smem:$0x3FB4] =	sst s0;
	s0 =	simm.s32 @!p2 $0x0  }
0x16: {  	s3 =	sld [smem:$0x3FDB];
	s0 =	simm.s32 @p2 $0x1  }
0x17: {  	s4 =	simm.s32 $0x1BF5;
	[smem:$0x3FB6] =	sst s0  }
0x18: {  	s0 =	sld [smem:$0x3F99];
	_ =	swait.ge [sflag:s4], $0x0  }
0x19: {  	s7 =	sld [smem:$0x3F9A]  }
0x1a: {  	s8 =	sadd.s32 $0xFFFFE003, lr  }
0x1b: {  	s9 =	sadd.s32 $0xFFFFFEF7, lr;
	s5 =	simm.s32 $0xFFFFFFFF;
	p2 =	slt.u32 s8, $0xFFFFF086  }
0x1c: {  	p1 =	slt.u32 s9, $0xF7A;
	s5 =	simm.s32 @!p2 $0x0  }
0x1d: {  	s5 =	simm.s32 @p1 $0x1;
	p0 =	seq.s32 s7, s2  }
0x1e: {  	s7 =	smul.u32 @!p0 $0xF7A, s2;
	p2 =	seq.s32 @!p0 s5, $0x0  }
0x1f: {  	s9 =	smul.u32 $0xF7A, s1;
	s8 =	simm.s32 @!p0 $0x1BF5;
	p2 =	por !p2, p0  }
0x20: {  	[sflag:s8] =	ssyncset.s32 @!p0 $0xFFFFF086;
	s6 =	sadd.s32 @!p0 s3, s7;
	s7 =	simm.s32 @!p0 $0x108  }
0x21: {  	s3 =	sadd.s32 s3, s9;
	s6 =	sadd.s32 @!p0 $0x88, s6;
	s7 =	simm.s32 @p2 $0x1082  }
0x22: {  	[simem:s7], [sflag:s8] =	dma.local @!p0 [hbm:s6], $0xF7A  }
0x23: {  	s9 =	sor.u32 $0xD0000000, s2;
	s6 =	simm.s32 $0x108;
	_ =	swait.ge @!p0 [sflag:s8], $0x0  }
0x24: {  	s3 =	sadd.s32 $0x88, s3;
	s6 =	simm.s32 @!p1 $0x1082;
	[sflag:s4] =	ssyncset.s32 $0xFFFFF086  }
0x25: {  	[simem:s6], [sflag:s4] =	dma.local [hbm:s3], $0xF7A  }
0x26: {  	[smem:$0x3F9A] =	sst s1;
	(tag) =	ssettag s2;
	_ =	strace s9  }
0x27: {  	s1 =	sld [smem:$0x3FAA]  }
0x28: {  	s2 =	sld [smem:$0x3FAB]  }
0x29: {  	s4 =	sld [smem:$0x3FAD]  }
0x2a: {  	p0 =	seq.s32 s5, $0x0;
	s5 =	sld [smem:$0x3FAE]  }
0x2b: {  	s6 =	sld [smem:$0x3FAF]  }
0x2c: {  	s7 =	sld [smem:$0x3FB0]  }
0x2d: {  	s3 =	simm.s32 $0x108;
	s8 =	sld [smem:$0x3FB1]  }
0x2e: {  	s3 =	simm.s32 @!p0 $0x1082;
	s9 =	sld [smem:$0x3FB2]  }
0x2f: {  	lr =	sadd.s32 s0, s3;
	s0 =	sld [smem:$0x3FA9]  }
0x30: {  	s3 =	sld [smem:$0x3FAC]  }
0x31: {  	[smem:$0x3FB5] =	sst s10  }
0x32: {  	s10 =	sld [smem:$0x3FB3];
	_ =	sdelay $0x3  }
0x33: {  	p0 =	seq.s32 s10, $0x1;
	s10 =	sld [smem:$0x3FB5];
	_ =	sdelay $0x3  }
0x34: {  	[smem:$0x3FB5] =	sst s10  }
0x35: {  	s10 =	sld [smem:$0x3FB4];
	_ =	sdelay $0x3  }
0x36: {  	p1 =	seq.s32 s10, $0x1;
	s10 =	sld [smem:$0x3FB5];
	_ =	sdelay $0x3  }
0x37: {  	[smem:$0x3FB5] =	sst s10  }
0x38: {  	s10 =	sld [smem:$0x3FB6]  }
0x39: {  	_ = 	snop;
	(pc) =	sbr.ind lr, $3  }
0x3a: {  	_ = 	snop  }
0x3b: {  	_ = 	snop  }
0x3c: {  	p2 =	seq.s32 s10, $0x1;
	s10 =	sld [smem:$0x3FB5]  }
0x3d: {  	_ =	shalt  }
0x3e: {  	_ =	shalt  }
0x3f: {  	_ =	shalt  }
0x40: {  	_ =	shalt  }
0x41: {  	_ =	shalt  }
0x42: {  	_ =	shalt  }
0x43: {  	_ =	shalt  }
0x44: {  	_ =	shalt  }
0x45: {  	_ =	shalt  }
0x46: {  	_ =	shalt  }
0x47: {  	_ =	shalt  }
0x48: {  	_ =	shalt  }
0x49: {  	_ =	shalt  }
0x4a: {  	_ =	shalt  }
0x4b: {  	_ =	shalt  }
0x4c: {  	_ =	shalt  }
0x4d: {  	_ =	shalt  }
0x4e: {  	_ =	shalt  }
0x4f: {  	_ =	shalt  }
0x50: {  	_ =	shalt  }
0x51: {  	_ =	shalt  }
0x52: {  	_ =	shalt  }
0x53: {  	_ =	shalt  }
0x54: {  	_ =	shalt  }
0x55: {  	_ =	shalt  }
0x56: {  	_ =	shalt  }
0x57: {  	_ =	shalt  }
0x58: {  	_ =	shalt  }
0x59: {  	_ =	shalt  }
0x5a: {  	_ =	shalt  }
0x5b: {  	_ =	shalt  }
0x5c: {  	_ =	shalt  }
0x5d: {  	_ =	shalt  }
0x5e: {  	_ =	shalt  }
0x5f: {  	_ =	shalt  }
0x60: {  	_ =	shalt  }
0x61: {  	_ =	shalt  }
0x62: {  	_ =	shalt  }
0x63: {  	_ =	shalt  }
0x64: {  	_ =	shalt  }
0x65: {  	_ =	shalt  }
0x66: {  	_ =	shalt  }
0x67: {  	_ =	shalt  }
0x68: {  	_ =	shalt  }
0x69: {  	_ =	shalt  }
0x6a: {  	_ =	shalt  }
0x6b: {  	_ =	shalt  }
0x6c: {  	_ =	shalt  }
0x6d: {  	_ =	shalt  }
0x6e: {  	_ =	shalt  }
0x6f: {  	_ =	shalt  }
0x70: {  	_ =	shalt  }
0x71: {  	_ =	shalt  }
0x72: {  	_ =	shalt  }
0x73: {  	_ =	shalt  }
0x74: {  	_ =	shalt  }
0x75: {  	_ =	shalt  }
0x76: {  	_ =	shalt  }
0x77: {  	_ =	shalt  }
0x78: {  	_ =	shalt  }
0x79: {  	_ =	shalt  }
0x7a: {  	_ =	shalt  }
0x7b: {  	_ =	shalt  }
0x7c: {  	_ =	shalt  }
0x7d: {  	_ =	shalt  }
0x7e: {  	_ =	shalt  }
0x7f: {  	_ =	shalt  }
0x80: {  	_ =	shalt  }
0x81: {  	_ =	shalt  }
0x82: {  	_ =	shalt  }
0x83: {  	_ =	shalt  }
0x84: {  	_ =	shalt  }
0x85: {  	_ =	shalt  }
0x86: {  	_ =	shalt  }
0x87: {  	_ =	shalt  }
.Lfunc_end0:
.L_simem_size_0:
called_computation_lowered:
.L_overlay_start_0:
0x88: {  	s2 =	sld [smem:$0x3FD9]  }
0x89: {  	s3 =	sld [smem:$0x3FFE];
	_ =	sdelay $0x1  }
0x8a: {  	s1 =	srdreg.scid  }
0x8b: {  	s0 =	sand.u32 $0x1, s1  }
0x8c: {  	s16 =	sshll.u32 s0, $0xA;
	s2 =	sadd.s32 s3, s2  }
0x8d: {  	s2 =	sadd.s32 s2, s16  }
0x8e: {  	[smem:$0x3FC1] =	sst s2  }
0x8f: {  	_ = 	snop  }
0x90: {  	(tm) =	ssettm $0x1  }
0x91: {  	s17 =	sld [smem:$0x3FFB];
	_ =	sdelay $0x3  }
0x92: {  	_ =	strace s17  }
0x93: {  	s2 =	sld [smem:$0x3FFC];
	_ =	sdelay $0x3  }
0x94: {  	_ =	strace s2  }
0x95: {  	s2 =	sld [smem:$0x3FFD];
	_ =	sdelay $0x3  }
0x96: {  	_ =	strace s2  }
0x97: {  	_ =	strace $0x8FFFFFFF  }
0x98: {  	s18 =	sld [smem:$0x3FDB];
	_ =	sdelay $0x1  }
0x99: {  	s19 =	simm.s32 $_scs_section_size  }
0x9a: {  	s4 =	simm.s32 $_size__tile_overlayer_lowered;
	s5 =	simm.s32 $_tile_overlayer_lowered  }
0x9b: {  	s22 =	simm.s32 $0x1BFF;
	s21 =	sshll.u32 s5, $0x1;
	s2 =	sadd.s32 s19, s18  }
0x9c: {  	s6 =	simm.s32 $0x0;
	s20 =	sshll.u32 s4, $0x1;
	s4 =	sadd.s32 s21, s2  }
0x9d: {  	[timem:s6], [sflag:s22] =	dma.local [hbm:s4], s20  }
0x9e: {  	_ =	swait.ge [sflag:s22], s20  }
0x9f: {  	s3 =	ssub.s32 $0x0, s20;
	[sflag:s22] =	ssyncset.done $0x0  }
0xa0: {  	[sflag:s22] =	ssyncadd.s32 s3;
	_ =	sdelay $0x1  }
0xa1: {  	s23 =	simm.s32 $0x1B8B  }
0xa2: {  	_ =	swait.ge [sflag:s23], $0x1  }
0xa3: {  	[sflag:s23] =	ssyncset.done $0x0  }
0xa4: {  	s25 =	simm.s32 $0x1B8E;
	s24 =	sld [smem:$0x3FFE];
	[sflag:s23] =	ssyncadd.s32 $0xFFFFFFFF  }
0xa5: {  	s26 =	simm.s32 $execute0_lowered;
	[smem:$0x3FD2] =	sst s25  }
0xa6: {  	s4 =	sshll.u32 s26, $0x1;
	_ =	strace $0x80000046;
	[dreg:$0x1] =	wrdreg $0xFFFFFFFF  }
0xa7: {  	s28 =	simm.s32 $_size_execute0_lowered;
	s2 =	sadd.s32 s2, s4;
	[dreg:$0x0] =	wrdreg $0x0  }
0xa8: {  	s4 =	sshll.u32 s28, $0x1;
	[dreg:$0x2] =	wrdreg s2  }
0xa9: {  	[dreg:$0x3] =	wrdreg s4  }
0xaa: {  	[dreg:$0x4] =	wrdreg $0xC0  }
0xab: {  	_ =	task [dreg:s6], $0x5FFFF  }
0xac: {  	[dreg:$0x1] =	wrdreg $0xFFFFFFFF  }
0xad: {  	[dreg:$0x0] =	wrdreg $0x60  }
0xae: {  	[dreg:$0x2] =	wrdreg s24  }
0xaf: {  	[dreg:$0x3] =	wrdreg $0x48000  }
0xb0: {  	[dreg:$0x4] =	wrdreg $0x9  }
0xb1: {  	_ =	task.clear_ibuf [dreg:s6], $0x5FFFF;
	_ =	strace $0x90000046  }
0xb2: {  	s29 =	simm.s32 $0x9;
	_ =	strace $0x80000048  }
0xb3: {  	_ =	swait.ge [sflag:s29], $0x1  }
0xb4: {  	[sflag:s29] =	ssyncadd.s32 $0xFFFFFFFF  }
0xb5: {  	_ =	strace $0x90000048  }
0xb6: {  	_ =	sfence  }
0xb7: {  	s30 =	sld [smem:$0x0];
	_ =	sdelay $0x2  }
0xb8: {  	s31 =	sshll.u32 s1, $0xD;
	s1 =	sshrl.u32 s1, $0x2  }
0xb9: {  	s3 =	sand.u32 $0x4000, s31;
	s1 =	sadd.s32 s1, s30  }
0xba: {  	s0 =	sor.u32 s3, s0;
	s1 =	sshll.u32 s1, $0x11  }
0xbb: {  	s0 =	sor.u32 s1, s0  }
0xbc: {  	s0 =	sadd.s32 $0x8F2B, s0  }
0xbd: {  	[sflag:s0] =	ssyncadd.remote.s32 $0x1  }
0xbe: {  	_ =	sfence.sel $0xFFFF  }
0xbf: {  	[dreg:$0x0] =	wrdreg $0xFFFFFFFF;
	(pc) =	sbr.abs _section_cstart, $3  }
0xc0: {  	[dreg:$0x1] =	wrdreg $0xFFFFFFFF  }
0xc1: {  	_ =	task.clear_ibuf [dreg:s6], $0x2FFFF;
	_ =	strace $0x9FFFFFFF  }
0xc2: {  	(tm) =	ssettm $0x7FFFFFFF  }
0xc3: {  	_ =	shalt  }
tec
execute0_lowered:
.L_overlay_start_1:
0x0: {  	(tag) =	ssettag $0x1  }
0x1: {  	s0 =	srdreg.scid;
	s4 =	rddreg [dreg:$0x0]  }
0x2: {  	s13 =	stileid.u32;
	s2 =	rddreg [dreg:$0x1]  }
0x3: {  	s3 =	simm.s32 $0x0;
	s14 =	simm.s32 $0x1;
	s15 =	simm.s32 $0x4000  }
0x4: {  	s16 =	simm.s32 $0x80;
	s17 =	simm.s32 $0x4080;
	s18 =	simm.s32 $0x4100  }
0x5: {  	s19 =	simm.s32 $0x4180;
	s20 =	simm.s32 $0x4200;
	s21 =	simm.s32 $0x4280  }
0x6: {  	s22 =	simm.s32 $0x4300;
	s28 =	simm.s32 $0x4580;
	s5 =	smul.u32 $0x2800, s13  }
0x7: {  	s29 =	simm.s32 $0x4600;
	s30 =	simm.s32 $0x4680;
	s23 =	smul.u32 $0x2700, s13  }
0x8: {  	s31 =	simm.s32 $0x4700;
	s0 =	sand.u32 $0x1, s0;
	s6 =	smul.u32 $0x4E000, s13  }
0x9: {  	[smem:$0x7FF] =	sst s3;
	s7 =	sadd.s32 $0x46A00, s4;
	s9 =	smul.u32 $0x13800, s13  }
0xa: {  	s10 =	sadd.s32 $0x47200, s4;
	s12 =	sadd.s32 $0x124800, s2;
	p0 =	seq.s32 s13, $0xF  }
0xb: {  	s1 =	smul.u32 $0x28000, s0;
	_ =	strace $0x80000047;
	s24 =	ssub.s32 $0x2, s0  }
0xc: {  	[dreg:$0x3] =	wrdreg s7;
	s0 =	smul.u32 $0x138800, s0;
	s8 =	sshrl.u32 s24, $0x1  }
0xd: {  	s6 =	sshrl.u32 s6, $0x2;
	s1 =	sadd.s32 s5, s1;
	s5 =	sadd.s32 s23, s4  }
0xe: {  	s11 =	ssub.s32 s24, s8;
	s6 =	sadd.s32 s6, s2;
	s25 =	sadd.s32 s9, s0  }
0xf: {  	s0 =	sshrl.u32 s0, $0x3;
	s23 =	simm.s32 $0x4380;
	s24 =	simm.s32 $0x4400  }
0x10: {  	s1 =	sshrl.u32 s1, $0x3;
	s5 =	sadd.s32 $0x1F800, s5;
	s0 =	sadd.s32 s10, s0  }
0x11: {  	s9 =	smax.u32 s11, $0x1;
	s11 =	sshrl.u32 @p0 s12, $0x3;
	s1 =	sadd.s32 s1, s4  }
0x12: {  	[dreg:$0x4] =	wrdreg s5;
	s5 =	sshrl.u32 s25, $0x3;
	s4 =	sadd.s32 $0x44100, s4  }
0x13: {  	s8 =	sadd.s32 $0x24900, s0;
	s0 =	sshll.u32 @!p0 s13, $0x6;
	s13 =	sshrl.u32 @!p0 s6, $0x3  }
0x14: {  	s25 =	simm.s32 $0x4480;
	[dreg:$0x5] =	wrdreg s4;
	s26 =	sadd.s32 s10, s5  }
0x15: {  	s10 =	sadd.s32 $0x15800, s1;
	s12 =	sor.u32 @!p0 $0x1C01, s0;
	s1 =	simm.s32 $0x4780  }
0x16: {  	s0 =	simm.s32 $0x0;
	[dreg:$0x6] =	wrdreg s26;
	s26 =	simm.s32 $0x4500  }
.LBB2_1:
0x17: {  	s4 =	simm.s32 @p0 $0x1FC1;
	s5 =	rddreg [dreg:$0x5]  }
0x18: {  	[spmem:s11], [sflag:s4] =	dma.local @p0 [hbm:s5], $0x2800  }
0x19: {  	s4 =	simm.s32 @p0 $0x1  }
0x1a: {  	_ =	swait.ge @p0 [sflag:s4], $0x2800  }
0x1b: {  	[sflag:s4] =	ssyncset.done @p0 $0x0  }
0x1c: {  	[sflag:s4] =	ssyncadd.s32 @p0 $0xFFFFD800;
	s4 =	rddreg [dreg:$0x4]  }
0x1d: {  	[spmem:s13], [sflag:s12] =	dma.local @!p0 [hbm:s4], $0x2700  }
0x1e: {  	s4 =	simm.s32 @!p0 $0x1  }
0x1f: {  	_ =	swait.ge @!p0 [sflag:s4], $0x2700  }
0x20: {  	[sflag:s4] =	ssyncset.done @!p0 $0x0  }
0x21: {  	s6 =	rddreg [dreg:$0x3];
	[sflag:s4] =	ssyncadd.s32 @!p0 $0xFFFFD900  }
0x22: {  	[tilespmem:s3], [sflag:$0x1] =	stream.linear.gather [hbm4b:s6+s3], $0x4000, $0x38;
	[tilespmem:$0x18100] =	vst v63  }
0x23: {  	_ =	swait.ge [sflag:s14], $0x4000  }
0x24: {  	[sflag:s14] =	ssyncset.done $0x0  }
0x25: {  	[sflag:s14] =	ssyncadd.s32 $0xFFFFC000  }
0x26: {  	s7 =	sadd.s32 $0x0, s10;
	[bflag:$0x0] =	sbarrier.arrive $0xFFFF  }
0x27: {  	[tilespmem:s15], [sflag:$0x1] =	stream.linear.gather [hbm4b:s7+s3], $0x800, $0x38;
	[tilespmem:$0x18100] =	vst v63  }
0x28: {  	_ =	swait.ge [sflag:s14], $0x800  }
0x29: {  	[sflag:s14] =	ssyncset.done $0x0  }
0x2a: {  	[sflag:s14] =	ssyncadd.s32 $0xFFFFF800  }
0x2b: {  	[spmem:s2] =	stream.indirect.scatter.add.f32 [tilespmem:s3], [sflag:$0x1], $0x80, s15, s16, $0xb8;
	[tilespmem:$0x18100] =	vst v63  }
0x2c: {  	_ =	swait.ge [sflag:s14], $0x4000  }
0x2d: {  	[sflag:s14] =	ssyncset.done $0x0  }
0x2e: {  	[sflag:s14] =	ssyncadd.s32 $0xFFFFC000  }
0x2f: {  	[spmem:s2] =	stream.indirect.scatter.add.f32 [tilespmem:s3], [sflag:$0x1], $0x80, s17, s16, $0xb8;
	[tilespmem:$0x18100] =	vst v63  }
0x30: {  	_ =	swait.ge [sflag:s14], $0x4000  }
0x31: {  	[sflag:s14] =	ssyncset.done $0x0  }
0x32: {  	[sflag:s14] =	ssyncadd.s32 $0xFFFFC000  }
0x33: {  	[spmem:s2] =	stream.indirect.scatter.add.f32 [tilespmem:s3], [sflag:$0x1], $0x80, s18, s16, $0xb8;
	[tilespmem:$0x18100] =	vst v63  }
0x34: {  	_ =	swait.ge [sflag:s14], $0x4000  }
0x35: {  	[sflag:s14] =	ssyncset.done $0x0  }
0x36: {  	[sflag:s14] =	ssyncadd.s32 $0xFFFFC000  }
0x37: {  	[spmem:s2] =	stream.indirect.scatter.add.f32 [tilespmem:s3], [sflag:$0x1], $0x80, s19, s16, $0xb8;
	[tilespmem:$0x18100] =	vst v63  }
0x38: {  	_ =	swait.ge [sflag:s14], $0x4000  }
0x39: {  	[sflag:s14] =	ssyncset.done $0x0  }
0x3a: {  	[sflag:s14] =	ssyncadd.s32 $0xFFFFC000  }
0x3b: {  	[spmem:s2] =	stream.indirect.scatter.add.f32 [tilespmem:s3], [sflag:$0x1], $0x80, s20, s16, $0xb8;
	[tilespmem:$0x18100] =	vst v63  }
0x3c: {  	_ =	swait.ge [sflag:s14], $0x4000  }
0x3d: {  	[sflag:s14] =	ssyncset.done $0x0  }
0x3e: {  	[sflag:s14] =	ssyncadd.s32 $0xFFFFC000  }
0x3f: {  	[spmem:s2] =	stream.indirect.scatter.add.f32 [tilespmem:s3], [sflag:$0x1], $0x80, s21, s16, $0xb8;
	[tilespmem:$0x18100] =	vst v63  }
0x40: {  	_ =	swait.ge [sflag:s14], $0x4000  }
0x41: {  	[sflag:s14] =	ssyncset.done $0x0  }
0x42: {  	[sflag:s14] =	ssyncadd.s32 $0xFFFFC000  }
0x43: {  	[spmem:s2] =	stream.indirect.scatter.add.f32 [tilespmem:s3], [sflag:$0x1], $0x80, s22, s16, $0xb8;
	[tilespmem:$0x18100] =	vst v63  }
0x44: {  	_ =	swait.ge [sflag:s14], $0x4000  }
0x45: {  	[sflag:s14] =	ssyncset.done $0x0  }
0x46: {  	[sflag:s14] =	ssyncadd.s32 $0xFFFFC000  }
0x47: {  	[spmem:s2] =	stream.indirect.scatter.add.f32 [tilespmem:s3], [sflag:$0x1], $0x80, s23, s16, $0xb8;
	[tilespmem:$0x18100] =	vst v63  }
0x48: {  	_ =	swait.ge [sflag:s14], $0x4000  }
0x49: {  	[sflag:s14] =	ssyncset.done $0x0  }
0x4a: {  	[sflag:s14] =	ssyncadd.s32 $0xFFFFC000  }
0x4b: {  	[spmem:s2] =	stream.indirect.scatter.add.f32 [tilespmem:s3], [sflag:$0x1], $0x80, s24, s16, $0xb8;
	[tilespmem:$0x18100] =	vst v63  }
0x4c: {  	_ =	swait.ge [sflag:s14], $0x4000  }
0x4d: {  	[sflag:s14] =	ssyncset.done $0x0  }
0x4e: {  	[sflag:s14] =	ssyncadd.s32 $0xFFFFC000  }
0x4f: {  	[spmem:s2] =	stream.indirect.scatter.add.f32 [tilespmem:s3], [sflag:$0x1], $0x80, s25, s16, $0xb8;
	[tilespmem:$0x18100] =	vst v63  }
0x50: {  	_ =	swait.ge [sflag:s14], $0x4000  }
0x51: {  	[sflag:s14] =	ssyncset.done $0x0  }
0x52: {  	[sflag:s14] =	ssyncadd.s32 $0xFFFFC000  }
0x53: {  	[spmem:s2] =	stream.indirect.scatter.add.f32 [tilespmem:s3], [sflag:$0x1], $0x80, s26, s16, $0xb8;
	[tilespmem:$0x18100] =	vst v63  }
0x54: {  	_ =	swait.ge [sflag:s14], $0x4000  }
0x55: {  	[sflag:s14] =	ssyncset.done $0x0  }
0x56: {  	[sflag:s14] =	ssyncadd.s32 $0xFFFFC000  }
0x57: {  	[spmem:s2] =	stream.indirect.scatter.add.f32 [tilespmem:s3], [sflag:$0x1], $0x80, s28, s16, $0xb8;
	[tilespmem:$0x18100] =	vst v63  }
0x58: {  	_ =	swait.ge [sflag:s14], $0x4000  }
0x59: {  	[sflag:s14] =	ssyncset.done $0x0  }
0x5a: {  	[sflag:s14] =	ssyncadd.s32 $0xFFFFC000  }
0x5b: {  	[spmem:s2] =	stream.indirect.scatter.add.f32 [tilespmem:s3], [sflag:$0x1], $0x80, s29, s16, $0xb8;
	[tilespmem:$0x18100] =	vst v63  }
0x5c: {  	_ =	swait.ge [sflag:s14], $0x4000  }
0x5d: {  	[sflag:s14] =	ssyncset.done $0x0  }
0x5e: {  	[sflag:s14] =	ssyncadd.s32 $0xFFFFC000  }
0x5f: {  	[spmem:s2] =	stream.indirect.scatter.add.f32 [tilespmem:s3], [sflag:$0x1], $0x80, s30, s16, $0xb8;
	[tilespmem:$0x18100] =	vst v63  }
0x60: {  	_ =	swait.ge [sflag:s14], $0x4000  }
0x61: {  	[sflag:s14] =	ssyncset.done $0x0  }
0x62: {  	[sflag:s14] =	ssyncadd.s32 $0xFFFFC000  }
0x63: {  	[spmem:s2] =	stream.indirect.scatter.add.f32 [tilespmem:s3], [sflag:$0x1], $0x80, s31, s16, $0xb8;
	[tilespmem:$0x18100] =	vst v63  }
0x64: {  	_ =	swait.ge [sflag:s14], $0x4000  }
0x65: {  	[sflag:s14] =	ssyncset.done $0x0  }
0x66: {  	[sflag:s14] =	ssyncadd.s32 $0xFFFFC000  }
0x67: {  	[spmem:s2] =	stream.indirect.scatter.add.f32 [tilespmem:s3], [sflag:$0x1], $0x80, s1, s16, $0xb8;
	[tilespmem:$0x18100] =	vst v63  }
0x68: {  	_ =	swait.ge [sflag:s14], $0x4000  }
0x69: {  	s5 =	simm.s32 $0x200;
	s4 =	simm.s32 $0x100;
	[sflag:s14] =	ssyncset.done $0x0  }
.LBB2_2:
0x6a: {  	s7 =	sadd.s32 s4, s10  }
0x6b: {  	[sflag:s14] =	ssyncadd.s32 $0xFFFFC000;
	s4 =	smov.u32 s5;
	s6 =	sadd.s32 $0x100, s5  }
0x6c: {  	[tilespmem:s15], [sflag:$0x1] =	stream.linear.gather [hbm4b:s7+s3], $0x800, $0x38;
	[tilespmem:$0x18100] =	vst v63  }
0x6d: {  	p1 =	sne.s32 s5, $0x400;
	_ =	swait.ge [sflag:s14], $0x800  }
0x6e: {  	[sflag:s14] =	ssyncset.done $0x0  }
0x6f: {  	[sflag:s14] =	ssyncadd.s32 $0xFFFFF800  }
0x70: {  	[spmem:s2] =	stream.indirect.scatter.add.f32 [tilespmem:s3], [sflag:$0x1], $0x80, s15, s16, $0xb8;
	[tilespmem:$0x18100] =	vst v63  }
0x71: {  	_ =	swait.ge [sflag:s14], $0x4000  }
0x72: {  	[sflag:s14] =	ssyncset.done $0x0  }
0x73: {  	[sflag:s14] =	ssyncadd.s32 $0xFFFFC000  }
0x74: {  	[spmem:s2] =	stream.indirect.scatter.add.f32 [tilespmem:s3], [sflag:$0x1], $0x80, s17, s16, $0xb8;
	[tilespmem:$0x18100] =	vst v63  }
0x75: {  	_ =	swait.ge [sflag:s14], $0x4000  }
0x76: {  	[sflag:s14] =	ssyncset.done $0x0  }
0x77: {  	[sflag:s14] =	ssyncadd.s32 $0xFFFFC000  }
0x78: {  	[spmem:s2] =	stream.indirect.scatter.add.f32 [tilespmem:s3], [sflag:$0x1], $0x80, s18, s16, $0xb8;
	[tilespmem:$0x18100] =	vst v63  }
0x79: {  	_ =	swait.ge [sflag:s14], $0x4000  }
0x7a: {  	[sflag:s14] =	ssyncset.done $0x0  }
0x7b: {  	[sflag:s14] =	ssyncadd.s32 $0xFFFFC000  }
0x7c: {  	[spmem:s2] =	stream.indirect.scatter.add.f32 [tilespmem:s3], [sflag:$0x1], $0x80, s19, s16, $0xb8;
	[tilespmem:$0x18100] =	vst v63  }
0x7d: {  	_ =	swait.ge [sflag:s14], $0x4000  }
0x7e: {  	[sflag:s14] =	ssyncset.done $0x0  }
0x7f: {  	[sflag:s14] =	ssyncadd.s32 $0xFFFFC000  }
0x80: {  	[spmem:s2] =	stream.indirect.scatter.add.f32 [tilespmem:s3], [sflag:$0x1], $0x80, s20, s16, $0xb8;
	[tilespmem:$0x18100] =	vst v63  }
0x81: {  	_ =	swait.ge [sflag:s14], $0x4000  }
0x82: {  	[sflag:s14] =	ssyncset.done $0x0  }
0x83: {  	[sflag:s14] =	ssyncadd.s32 $0xFFFFC000  }
0x84: {  	[spmem:s2] =	stream.indirect.scatter.add.f32 [tilespmem:s3], [sflag:$0x1], $0x80, s21, s16, $0xb8;
	[tilespmem:$0x18100] =	vst v63  }
0x85: {  	_ =	swait.ge [sflag:s14], $0x4000  }
0x86: {  	[sflag:s14] =	ssyncset.done $0x0  }
0x87: {  	[sflag:s14] =	ssyncadd.s32 $0xFFFFC000  }
0x88: {  	[spmem:s2] =	stream.indirect.scatter.add.f32 [tilespmem:s3], [sflag:$0x1], $0x80, s22, s16, $0xb8;
	[tilespmem:$0x18100] =	vst v63  }
0x89: {  	_ =	swait.ge [sflag:s14], $0x4000  }
0x8a: {  	[sflag:s14] =	ssyncset.done $0x0  }
0x8b: {  	[sflag:s14] =	ssyncadd.s32 $0xFFFFC000  }
0x8c: {  	[spmem:s2] =	stream.indirect.scatter.add.f32 [tilespmem:s3], [sflag:$0x1], $0x80, s23, s16, $0xb8;
	[tilespmem:$0x18100] =	vst v63  }
0x8d: {  	_ =	swait.ge [sflag:s14], $0x4000  }
0x8e: {  	[sflag:s14] =	ssyncset.done $0x0  }
0x8f: {  	[sflag:s14] =	ssyncadd.s32 $0xFFFFC000  }
0x90: {  	[spmem:s2] =	stream.indirect.scatter.add.f32 [tilespmem:s3], [sflag:$0x1], $0x80, s24, s16, $0xb8;
	[tilespmem:$0x18100] =	vst v63  }
0x91: {  	_ =	swait.ge [sflag:s14], $0x4000  }
0x92: {  	[sflag:s14] =	ssyncset.done $0x0  }
0x93: {  	[sflag:s14] =	ssyncadd.s32 $0xFFFFC000  }
0x94: {  	[spmem:s2] =	stream.indirect.scatter.add.f32 [tilespmem:s3], [sflag:$0x1], $0x80, s25, s16, $0xb8;
	[tilespmem:$0x18100] =	vst v63  }
0x95: {  	_ =	swait.ge [sflag:s14], $0x4000  }
0x96: {  	[sflag:s14] =	ssyncset.done $0x0  }
0x97: {  	[sflag:s14] =	ssyncadd.s32 $0xFFFFC000  }
0x98: {  	[spmem:s2] =	stream.indirect.scatter.add.f32 [tilespmem:s3], [sflag:$0x1], $0x80, s26, s16, $0xb8;
	[tilespmem:$0x18100] =	vst v63  }
0x99: {  	_ =	swait.ge [sflag:s14], $0x4000  }
0x9a: {  	[sflag:s14] =	ssyncset.done $0x0  }
0x9b: {  	[sflag:s14] =	ssyncadd.s32 $0xFFFFC000  }
0x9c: {  	[spmem:s2] =	stream.indirect.scatter.add.f32 [tilespmem:s3], [sflag:$0x1], $0x80, s28, s16, $0xb8;
	[tilespmem:$0x18100] =	vst v63  }
0x9d: {  	_ =	swait.ge [sflag:s14], $0x4000  }
0x9e: {  	[sflag:s14] =	ssyncset.done $0x0  }
0x9f: {  	[sflag:s14] =	ssyncadd.s32 $0xFFFFC000  }
0xa0: {  	[spmem:s2] =	stream.indirect.scatter.add.f32 [tilespmem:s3], [sflag:$0x1], $0x80, s29, s16, $0xb8;
	[tilespmem:$0x18100] =	vst v63  }
0xa1: {  	_ =	swait.ge [sflag:s14], $0x4000  }
0xa2: {  	[sflag:s14] =	ssyncset.done $0x0  }
0xa3: {  	[sflag:s14] =	ssyncadd.s32 $0xFFFFC000  }
0xa4: {  	[spmem:s2] =	stream.indirect.scatter.add.f32 [tilespmem:s3], [sflag:$0x1], $0x80, s30, s16, $0xb8;
	[tilespmem:$0x18100] =	vst v63  }
0xa5: {  	_ =	swait.ge [sflag:s14], $0x4000  }
0xa6: {  	[sflag:s14] =	ssyncset.done $0x0  }
0xa7: {  	[sflag:s14] =	ssyncadd.s32 $0xFFFFC000  }
0xa8: {  	[spmem:s2] =	stream.indirect.scatter.add.f32 [tilespmem:s3], [sflag:$0x1], $0x80, s31, s16, $0xb8;
	[tilespmem:$0x18100] =	vst v63  }
0xa9: {  	_ =	swait.ge [sflag:s14], $0x4000  }
.Ltmp0:
0xaa: {  	[sflag:s14] =	ssyncset.done $0x0;
	(pc) =	sbr.rel @p1 .LBB2_2-.Ltmp0, $4  }
0xab: {  	[sflag:s14] =	ssyncadd.s32 $0xFFFFC000  }
0xac: {  	[spmem:s2] =	stream.indirect.scatter.add.f32 [tilespmem:s3], [sflag:$0x1], $0x80, s1, s16, $0xb8;
	[tilespmem:$0x18100] =	vst v63  }
0xad: {  	_ =	swait.ge [sflag:s14], $0x4000  }
0xae: {  	s5 =	smov.u32 s6;
	[sflag:s14] =	ssyncset.done $0x0  }
0xaf: {  	s4 =	sadd.s32 s4, s10;
	[sflag:s14] =	ssyncadd.s32 $0xFFFFC000  }
0xb0: {  	[tilespmem:s15], [sflag:$0x1] =	stream.linear.gather [hbm4b:s4+s3], $0x800, $0x38;
	[tilespmem:$0x18100] =	vst v63  }
0xb1: {  	_ =	swait.ge [sflag:s14], $0x800  }
0xb2: {  	[sflag:s14] =	ssyncset.done $0x0  }
0xb3: {  	[sflag:s14] =	ssyncadd.s32 $0xFFFFF800  }
0xb4: {  	[spmem:s2] =	stream.indirect.scatter.add.f32 [tilespmem:s3], [sflag:$0x1], $0x80, s15, s16, $0xb8;
	[tilespmem:$0x18100] =	vst v63  }
0xb5: {  	_ =	swait.ge [sflag:s14], $0x4000  }
0xb6: {  	[sflag:s14] =	ssyncset.done $0x0  }
0xb7: {  	[sflag:s14] =	ssyncadd.s32 $0xFFFFC000  }
0xb8: {  	[spmem:s2] =	stream.indirect.scatter.add.f32 [tilespmem:s3], [sflag:$0x1], $0x80, s17, s16, $0xb8;
	[tilespmem:$0x18100] =	vst v63  }
0xb9: {  	_ =	swait.ge [sflag:s14], $0x4000  }
0xba: {  	[sflag:s14] =	ssyncset.done $0x0  }
0xbb: {  	[sflag:s14] =	ssyncadd.s32 $0xFFFFC000  }
0xbc: {  	[spmem:s2] =	stream.indirect.scatter.add.f32 [tilespmem:s3], [sflag:$0x1], $0x80, s18, s16, $0xb8;
	[tilespmem:$0x18100] =	vst v63  }
0xbd: {  	_ =	swait.ge [sflag:s14], $0x4000  }
0xbe: {  	[sflag:s14] =	ssyncset.done $0x0  }
0xbf: {  	[sflag:s14] =	ssyncadd.s32 $0xFFFFC000  }
0xc0: {  	[spmem:s2] =	stream.indirect.scatter.add.f32 [tilespmem:s3], [sflag:$0x1], $0x80, s19, s16, $0xb8;
	[tilespmem:$0x18100] =	vst v63  }
0xc1: {  	_ =	swait.ge [sflag:s14], $0x4000  }
0xc2: {  	[sflag:s14] =	ssyncset.done $0x0  }
0xc3: {  	[sflag:s14] =	ssyncadd.s32 $0xFFFFC000  }
0xc4: {  	[spmem:s2] =	stream.indirect.scatter.add.f32 [tilespmem:s3], [sflag:$0x1], $0x80, s20, s16, $0xb8;
	[tilespmem:$0x18100] =	vst v63  }
0xc5: {  	_ =	swait.ge [sflag:s14], $0x4000  }
0xc6: {  	[sflag:s14] =	ssyncset.done $0x0  }
0xc7: {  	[sflag:s14] =	ssyncadd.s32 $0xFFFFC000  }
0xc8: {  	[spmem:s2] =	stream.indirect.scatter.add.f32 [tilespmem:s3], [sflag:$0x1], $0x80, s21, s16, $0xb8;
	[tilespmem:$0x18100] =	vst v63  }
0xc9: {  	_ =	swait.ge [sflag:s14], $0x4000  }
0xca: {  	[sflag:s14] =	ssyncset.done $0x0  }
0xcb: {  	[sflag:s14] =	ssyncadd.s32 $0xFFFFC000  }
0xcc: {  	[spmem:s2] =	stream.indirect.scatter.add.f32 [tilespmem:s3], [sflag:$0x1], $0x80, s22, s16, $0xb8;
	[tilespmem:$0x18100] =	vst v63  }
0xcd: {  	_ =	swait.ge [sflag:s14], $0x4000  }
0xce: {  	[sflag:s14] =	ssyncset.done $0x0  }
0xcf: {  	[sflag:s14] =	ssyncadd.s32 $0xFFFFC000  }
0xd0: {  	[spmem:s2] =	stream.indirect.scatter.add.f32 [tilespmem:s3], [sflag:$0x1], $0x80, s23, s16, $0xb8;
	[tilespmem:$0x18100] =	vst v63  }
0xd1: {  	_ =	swait.ge [sflag:s14], $0x4000  }
0xd2: {  	[sflag:s14] =	ssyncset.done $0x0  }
0xd3: {  	[sflag:s14] =	ssyncadd.s32 $0xFFFFC000  }
0xd4: {  	[spmem:s2] =	stream.indirect.scatter.add.f32 [tilespmem:s3], [sflag:$0x1], $0x80, s24, s16, $0xb8;
	[tilespmem:$0x18100] =	vst v63  }
0xd5: {  	_ =	swait.ge [sflag:s14], $0x4000  }
0xd6: {  	[sflag:s14] =	ssyncset.done $0x0  }
0xd7: {  	[sflag:s14] =	ssyncadd.s32 $0xFFFFC000  }
0xd8: {  	[spmem:s2] =	stream.indirect.scatter.add.f32 [tilespmem:s3], [sflag:$0x1], $0x80, s25, s16, $0xb8;
	[tilespmem:$0x18100] =	vst v63  }
0xd9: {  	_ =	swait.ge [sflag:s14], $0x4000  }
0xda: {  	[sflag:s14] =	ssyncset.done $0x0  }
0xdb: {  	[sflag:s14] =	ssyncadd.s32 $0xFFFFC000  }
0xdc: {  	[spmem:s2] =	stream.indirect.scatter.add.f32 [tilespmem:s3], [sflag:$0x1], $0x80, s26, s16, $0xb8;
	[tilespmem:$0x18100] =	vst v63  }
0xdd: {  	_ =	swait.ge [sflag:s14], $0x4000  }
0xde: {  	[sflag:s14] =	ssyncset.done $0x0  }
0xdf: {  	[sflag:s14] =	ssyncadd.s32 $0xFFFFC000  }
0xe0: {  	[spmem:s2] =	stream.indirect.scatter.add.f32 [tilespmem:s3], [sflag:$0x1], $0x80, s28, s16, $0xb8;
	[tilespmem:$0x18100] =	vst v63  }
0xe1: {  	_ =	swait.ge [sflag:s14], $0x4000  }
0xe2: {  	[sflag:s14] =	ssyncset.done $0x0  }
0xe3: {  	[sflag:s14] =	ssyncadd.s32 $0xFFFFC000  }
0xe4: {  	[spmem:s2] =	stream.indirect.scatter.add.f32 [tilespmem:s3], [sflag:$0x1], $0x80, s29, s16, $0xb8;
	[tilespmem:$0x18100] =	vst v63  }
0xe5: {  	_ =	swait.ge [sflag:s14], $0x4000  }
0xe6: {  	[sflag:s14] =	ssyncset.done $0x0  }
0xe7: {  	[sflag:s14] =	ssyncadd.s32 $0xFFFFC000  }
0xe8: {  	[spmem:s2] =	stream.indirect.scatter.add.f32 [tilespmem:s3], [sflag:$0x1], $0x80, s30, s16, $0xb8;
	[tilespmem:$0x18100] =	vst v63  }
0xe9: {  	_ =	swait.ge [sflag:s14], $0x4000  }
0xea: {  	[sflag:s14] =	ssyncset.done $0x0  }
0xeb: {  	[sflag:s14] =	ssyncadd.s32 $0xFFFFC000  }
0xec: {  	[spmem:s2] =	stream.indirect.scatter.add.f32 [tilespmem:s3], [sflag:$0x1], $0x80, s31, s16, $0xb8;
	[tilespmem:$0x18100] =	vst v63  }
0xed: {  	_ =	swait.ge [sflag:s14], $0x4000  }
0xee: {  	[sflag:s14] =	ssyncset.done $0x0  }
0xef: {  	[sflag:s14] =	ssyncadd.s32 $0xFFFFC000  }
0xf0: {  	[spmem:s2] =	stream.indirect.scatter.add.f32 [tilespmem:s3], [sflag:$0x1], $0x80, s1, s16, $0xb8;
	[tilespmem:$0x18100] =	vst v63  }
0xf1: {  	_ =	swait.ge [sflag:s14], $0x4000  }
0xf2: {  	[sflag:s14] =	ssyncset.done $0x0  }
0xf3: {  	[sflag:s14] =	ssyncadd.s32 $0xFFFFC000  }
0xf4: {  	s4 =	simm.s32 @p0 $0x1FC1;
	[bflag:$0x0] =	sbarrier.arrive $0xFFFF  }
0xf5: {  	[hbm:s8], [sflag:s4] =	dma.local @p0 [spmem:s11], $0x2800  }
0xf6: {  	s4 =	simm.s32 @p0 $0x1  }
0xf7: {  	_ =	swait.ge @p0 [sflag:s4], $0x2800  }
0xf8: {  	s0 =	sadd.s32 $0x1, s0;
	[sflag:s4] =	ssyncset.done @p0 $0x0  }
0xf9: {  	p1 =	sne.s32 s0, s9;
	[sflag:s4] =	ssyncadd.s32 @p0 $0xFFFFD800;
	s4 =	rddreg [dreg:$0x6]  }
0xfa: {  	[hbm:s4], [sflag:s12] =	dma.local @!p0 [spmem:s13], $0x2700  }
.Ltmp1:
0xfb: {  	_ = 	snop;
	(pc) =	sbr.rel @p1 .LBB2_1-.Ltmp1, $4  }
0xfc: {  	s4 =	simm.s32 @!p0 $0x1  }
0xfd: {  	_ =	swait.ge @!p0 [sflag:s4], $0x2700  }
0xfe: {  	[sflag:s4] =	ssyncset.done @!p0 $0x0  }
0xff: {  	[sflag:s4] =	ssyncadd.s32 @!p0 $0xFFFFD900  }
0x100: {  	_ =	sfence.sel $0x180000  }
0x101: {  	[bflag:$0x0] =	sbarrier.arrive $0xFFFF  }
0x102: {  	_ =	strace $0x90000047  }
0x103: {  	s0 =	stileid.u32;
	[bflag:$0x2] =	sbarrier.arrive $0xFFFF  }
0x104: {  	p0 =	sne.s32 s0, $0x0;
	s0 =	rddreg [dreg:$0x2]  }
0x105: {  	s0 =	sadd.s32 @!p0 $0x100000, s0  }
0x106: {  	[sflag:s0] =	ssyncadd.tile.s32 @!p0 $0x1;
	_ =	shalt  }
.Lfunc_end2:
_tile_overlayer_lowered:
.L_overlay_start_2:
0x107: {  	(tag) =	ssettag $0x2  }
0x108: {  	s0 =	rddreg [dreg:$0x0];
	s2 =	stileid.u32  }
0x109: {  	s1 =	rddreg [dreg:$0x1];
	p0 =	sne.s32 s2, $0x0  }
0x10a: {  	s3 =	rddreg [dreg:$0x2];
	[bflag:$0x3] =	sbarrier.arrive $0xFFFF;
	s2 =	simm.s32 @!p0 $0x1C01  }
0x10b: {  	[timem:s3], [sflag:s2] =	dma.local @!p0 [hbm:s0], s1  }
0x10c: {  	s0 =	simm.s32 @!p0 $0x1  }
0x10d: {  	_ =	swait.ge @!p0 [sflag:s0], s1  }
0x10e: {  	s1 =	ssub.s32 @!p0 $0x0, s1;
	[sflag:s0] =	ssyncset.done @!p0 $0x0  }
0x10f: {  	[sflag:s0] =	ssyncadd.s32 @!p0 s1  }
0x110: {  	[bflag:$0x3] =	sbarrier.arrive $0xFFFF  }
0x111: {  	_ =	shalt  }

</sc_bundles>
